<compile_context>
chip_gen: v7x
topology: tpu7x:2x2x1
jax: 0.10.2.dev20260603
libtpu: 0.0.44.dev20260713+nightly
codegen_flags: <defaults>
</compile_context>

<pallas_src>
import functools

import jax
import jax.numpy as jnp
from jax import lax
from jax.experimental import pallas as pl
from jax.experimental.pallas import tpu as pltpu
from jax.experimental.pallas import tpu_sc as plsc


C = 8
L = 16
NW = 32


def _sc_body(x_hbm, pos_hbm, out_hbm,
             xbuf0, xbuf1, obuf0, obuf1, posbuf,
             rsem0, rsem1, wsem0, wsem1,
             *, batch, seq_len, d_model):
    s_per_w = seq_len // NW
    n_chunks = s_per_w // C
    n_steps = n_chunks * batch
    cd = C * d_model

    wid = lax.axis_index("s") * 2 + lax.axis_index("c")
    s0 = wid * s_per_w

    def x_off(t):
        b = lax.rem(t, batch)
        c = lax.div(t, batch)
        return (b * seq_len + s0 + c * C) * d_model

    def rd(t, buf, sem):
        return pltpu.make_async_copy(
            x_hbm.at[pl.ds(x_off(t), cd)], buf, sem)

    def wr(t, buf, sem):
        return pltpu.make_async_copy(
            buf, out_hbm.at[pl.ds(x_off(t), cd)], sem)

    rd(0, xbuf0, rsem0).start()
    rd(1, xbuf1, rsem1).start()

    def half_step(t, p, xbuf, obuf, rsem, wsem):
        rd(t, xbuf, rsem).wait()

        @pl.when(p > 0)
        def _():
            wr(t - 2, obuf, wsem).wait()

        @plsc.parallel_loop(0, cd // L, unroll=8)
        def _(j):
            o = j * L
            obuf[pl.ds(o, L)] = xbuf[pl.ds(o, L)]

        wr(t, obuf, wsem).start()

        @pl.when(t + 2 < n_steps)
        def _():
            rd(t + 2, xbuf, rsem).start()

    def step(p, carry):
        half_step(2 * p, p, xbuf0, obuf0, rsem0, wsem0)
        half_step(2 * p + 1, p, xbuf1, obuf1, rsem1, wsem1)
        return carry

    lax.fori_loop(0, n_steps // 2, step, 0)

    wr(n_steps - 2, obuf0, wsem0).wait()
    wr(n_steps - 1, obuf1, wsem1).wait()


def kernel(x, pos_table):
    batch, seq_len, d_model = x.shape
    rows = batch * seq_len
    xf = x.reshape(rows * d_model)
    pos = pos_table[:seq_len].reshape(seq_len * d_model)
    cd = C * d_model

    mesh = plsc.VectorSubcoreMesh(core_axis_name="c", subcore_axis_name="s")
    body = functools.partial(_sc_body, batch=batch, seq_len=seq_len,
                             d_model=d_model)
    sc = pl.kernel(
        body,
        out_type=jax.ShapeDtypeStruct((rows * d_model,), x.dtype),
        mesh=mesh,
        scratch_types=[
            pltpu.VMEM((cd,), x.dtype),
            pltpu.VMEM((cd,), x.dtype),
            pltpu.VMEM((cd,), x.dtype),
            pltpu.VMEM((cd,), x.dtype),
            pltpu.VMEM((cd,), x.dtype),
            pltpu.SemaphoreType.DMA,
            pltpu.SemaphoreType.DMA,
            pltpu.SemaphoreType.DMA,
            pltpu.SemaphoreType.DMA,
        ],
    )
    out = sc(xf, pos)
    return out.reshape(batch, seq_len, d_model)

# --- scband reference (transcript-rebuilt; emitter-appended) ---
"""Pipeline reference for scband-learned-positional-encoding-90606630076609 (READ-ONLY COPY).

The authoritative reference and input builder live on the scoring server;
editing this copy changes nothing except your own understanding.
"""

import jax, jax.numpy as jnp
import numpy as np

D_MODEL = 1024
MAX_SEQ_LEN = 8192
BATCH = 4
SEQ_LEN = 8192

def setup_inputs(seed: int = 0) -> dict:
    key = jax.random.key(seed)
    k1, k2 = jax.random.split(key)
    x = jax.random.normal(k1, (BATCH, SEQ_LEN, D_MODEL), dtype=jnp.float32)
    # nn.Embedding default init: N(0, 1)
    pos_table = jax.random.normal(k2, (MAX_SEQ_LEN, D_MODEL), dtype=jnp.float32)
    return {"x": x, "pos_table": pos_table}

def reference(x, pos_table):
    batch_size, seq_len, _ = x.shape
    positions = jnp.arange(seq_len)
    positions = jnp.broadcast_to(positions[None, :], (batch_size, seq_len))
    pos_emb = jnp.take(pos_table, positions, axis=0)  # (B, S, D)
    out = x + pos_emb
    # dropout is identity in eval mode
    return out

if __name__ == "__main__":
    import jax
    _d = setup_inputs()
    print(jax.jit(kernel)(*tuple(_d.values())))

</pallas_src>

<mosaic_0001>
#map = affine_map<(d0, d1) -> (0)>
module attributes {stable_mosaic.version = 14 : i64} {
  func.func @_sc_body(%arg0: i32, %arg1: i32, %arg2: memref<33554432xf32, #tpu.memory_space<hbm>>, %arg3: memref<8388608xf32, #tpu.memory_space<hbm>>, %arg4: memref<33554432xf32, #tpu.memory_space<hbm>>, %arg5: memref<8192xf32, #tpu.memory_space<vmem>>, %arg6: memref<8192xf32, #tpu.memory_space<vmem>>, %arg7: memref<8192xf32, #tpu.memory_space<vmem>>, %arg8: memref<8192xf32, #tpu.memory_space<vmem>>, %arg9: memref<8192xf32, #tpu.memory_space<vmem>>, %arg10: memref<!tpu.dma_semaphore, #tpu.memory_space<semaphore_mem>>, %arg11: memref<!tpu.dma_semaphore, #tpu.memory_space<semaphore_mem>>, %arg12: memref<!tpu.dma_semaphore, #tpu.memory_space<semaphore_mem>>, %arg13: memref<!tpu.dma_semaphore, #tpu.memory_space<semaphore_mem>>) attributes {dimension_semantics = [#tpu.dimension_semantics<core_parallel>, #tpu.dimension_semantics<subcore_parallel>], iteration_bounds = array<i64: 2, 16>, scalar_prefetch = 0 : i64, scratch_operands = 9 : i64, tpu.core_type = #tpu.core_type<sc_vector_subcore>, window_params = [{transform_indices = #map}, {transform_indices = #map}, {transform_indices = #map}]} {
    %mul3A = arith.constant 2 : i32
    %mul3A_0 = arith.muli %arg1, %mul3A : i32
    %add3A = arith.addi %mul3A_0, %arg0 : i32
    %mul3A_1 = arith.constant 256 : i32
    %mul3A_2 = arith.muli %add3A, %mul3A_1 : i32
    %rem3A = arith.constant 0 : i32
    %rem3A_3 = arith.constant 4 : i32
    %rem3A_4 = arith.remsi %rem3A, %rem3A_3 : i32
    %div3A = arith.constant 0 : i32
    %div3A_5 = arith.constant 4 : i32
    %div3A_6 = arith.divsi %div3A, %div3A_5 : i32
    %mul3A_7 = arith.constant 8192 : i32
    %mul3A_8 = arith.muli %rem3A_4, %mul3A_7 : i32
    %add3A_9 = arith.addi %mul3A_8, %mul3A_2 : i32
    %mul3A_10 = arith.constant 8 : i32
    %mul3A_11 = arith.muli %div3A_6, %mul3A_10 : i32
    %add3A_12 = arith.addi %add3A_9, %mul3A_11 : i32
    %mul3A_13 = arith.constant 1024 : i32
    %mul3A_14 = arith.muli %add3A_12, %mul3A_13 : i32
    %dma_start3A = tpu.memref_slice %arg2[%mul3A_14] : memref<33554432xf32, #tpu.memory_space<hbm>> -> memref<8192xf32, #tpu.memory_space<hbm>>
    %dma_start3A_15 = tpu.memref_slice %arg2[%mul3A_14] : memref<33554432xf32, #tpu.memory_space<hbm>> -> memref<8192xf32, #tpu.memory_space<hbm>>
    tpu.enqueue_dma source(%dma_start3A_15 : memref<8192xf32, #tpu.memory_space<hbm>>) target(%arg5 : memref<8192xf32, #tpu.memory_space<vmem>>) target_semaphore(%arg10 : memref<!tpu.dma_semaphore, #tpu.memory_space<semaphore_mem>>)
    %rem3A_16 = arith.constant 1 : i32
    %rem3A_17 = arith.constant 4 : i32
    %rem3A_18 = arith.remsi %rem3A_16, %rem3A_17 : i32
    %div3A_19 = arith.constant 1 : i32
    %div3A_20 = arith.constant 4 : i32
    %div3A_21 = arith.divsi %div3A_19, %div3A_20 : i32
    %mul3A_22 = arith.constant 8192 : i32
    %mul3A_23 = arith.muli %rem3A_18, %mul3A_22 : i32
    %add3A_24 = arith.addi %mul3A_23, %mul3A_2 : i32
    %mul3A_25 = arith.constant 8 : i32
    %mul3A_26 = arith.muli %div3A_21, %mul3A_25 : i32
    %add3A_27 = arith.addi %add3A_24, %mul3A_26 : i32
    %mul3A_28 = arith.constant 1024 : i32
    %mul3A_29 = arith.muli %add3A_27, %mul3A_28 : i32
    %dma_start3A_30 = tpu.memref_slice %arg2[%mul3A_29] : memref<33554432xf32, #tpu.memory_space<hbm>> -> memref<8192xf32, #tpu.memory_space<hbm>>
    %dma_start3A_31 = tpu.memref_slice %arg2[%mul3A_29] : memref<33554432xf32, #tpu.memory_space<hbm>> -> memref<8192xf32, #tpu.memory_space<hbm>>
    tpu.enqueue_dma source(%dma_start3A_31 : memref<8192xf32, #tpu.memory_space<hbm>>) target(%arg6 : memref<8192xf32, #tpu.memory_space<vmem>>) target_semaphore(%arg11 : memref<!tpu.dma_semaphore, #tpu.memory_space<semaphore_mem>>)
    %scan3A = arith.constant 0 : i32
    %scan3A_32 = arith.constant 0 : i32
    %scan3A_33 = arith.constant 64 : i32
    %scan3A_34 = arith.addi %scan3A_32, %scan3A_33 : i32
    %scan3A_35 = arith.constant 1 : i32
    scf.for %scan3A_68 = %scan3A_32 to %scan3A_34 step %scan3A_35  : i32 {
      %mul3A_69 = arith.constant 2 : i32
      %mul3A_70 = arith.muli %mul3A_69, %scan3A_68 : i32
      %rem3A_71 = arith.constant 4 : i32
      %rem3A_72 = arith.remsi %mul3A_70, %rem3A_71 : i32
      %div3A_73 = arith.constant 4 : i32
      %div3A_74 = arith.divsi %mul3A_70, %div3A_73 : i32
      %mul3A_75 = arith.constant 8192 : i32
      %mul3A_76 = arith.muli %rem3A_72, %mul3A_75 : i32
      %add3A_77 = arith.addi %mul3A_76, %mul3A_2 : i32
      %mul3A_78 = arith.constant 8 : i32
      %mul3A_79 = arith.muli %div3A_74, %mul3A_78 : i32
      %add3A_80 = arith.addi %add3A_77, %mul3A_79 : i32
      %mul3A_81 = arith.constant 1024 : i32
      %mul3A_82 = arith.muli %add3A_80, %mul3A_81 : i32
      %dma_wait3A_83 = tpu.memref_slice %arg2[%mul3A_82] : memref<33554432xf32, #tpu.memory_space<hbm>> -> memref<8192xf32, #tpu.memory_space<hbm>>
      %dma_wait3A_84 = tpu.memref_slice %arg2[%mul3A_82] : memref<33554432xf32, #tpu.memory_space<hbm>> -> memref<8192xf32, #tpu.memory_space<hbm>>
      tpu.wait_dma2 semaphore(%arg10 : memref<!tpu.dma_semaphore, #tpu.memory_space<semaphore_mem>>) src(%dma_wait3A_84 : memref<8192xf32, #tpu.memory_space<hbm>>) dst(%arg5 : memref<8192xf32, #tpu.memory_space<vmem>>)
      %gt3A = arith.constant 0 : i32
      %gt3A_85 = arith.cmpi sgt, %scan3A_68, %gt3A : i32
      %convert_element_type3A = arith.extui %gt3A_85 : i1 to i32
      %cond3A = arith.constant 0 : i32
      %cond3A_86 = arith.cmpi ne, %convert_element_type3A, %cond3A : i32
      scf.if %cond3A_86 {
        %sub3A = arith.constant 2 : i32
        %sub3A_156 = arith.subi %mul3A_70, %sub3A : i32
        %rem3A_157 = arith.constant 4 : i32
        %rem3A_158 = arith.remsi %sub3A_156, %rem3A_157 : i32
        %div3A_159 = arith.constant 4 : i32
        %div3A_160 = arith.divsi %sub3A_156, %div3A_159 : i32
        %mul3A_161 = arith.constant 8192 : i32
        %mul3A_162 = arith.muli %rem3A_158, %mul3A_161 : i32
        %add3A_163 = arith.addi %mul3A_162, %mul3A_2 : i32
        %mul3A_164 = arith.constant 8 : i32
        %mul3A_165 = arith.muli %div3A_160, %mul3A_164 : i32
        %add3A_166 = arith.addi %add3A_163, %mul3A_165 : i32
        %mul3A_167 = arith.constant 1024 : i32
        %mul3A_168 = arith.muli %add3A_166, %mul3A_167 : i32
        %dma_wait3A_169 = tpu.memref_slice %arg4[%mul3A_168] : memref<33554432xf32, #tpu.memory_space<hbm>> -> memref<8192xf32, #tpu.memory_space<hbm>>
        %dma_wait3A_170 = tpu.memref_slice %arg4[%mul3A_168] : memref<33554432xf32, #tpu.memory_space<hbm>> -> memref<8192xf32, #tpu.memory_space<hbm>>
        tpu.wait_dma2 semaphore(%arg12 : memref<!tpu.dma_semaphore, #tpu.memory_space<semaphore_mem>>) src(%arg7 : memref<8192xf32, #tpu.memory_space<vmem>>) dst(%dma_wait3A_170 : memref<8192xf32, #tpu.memory_space<hbm>>)
      } else {
      }
      %parallel_loop3A = arith.constant 0 : i32
      %parallel_loop3A_87 = arith.constant 512 : i32
      %parallel_loop3A_88 = arith.constant 1 : i32
      scf.for %parallel_loop3A_156 = %parallel_loop3A to %parallel_loop3A_87 step %parallel_loop3A_88  : i32 {
        %parallel_loop3A_157 = arith.constant 16 : i32
        %parallel_loop3A_158 = arith.muli %parallel_loop3A_156, %parallel_loop3A_157 : i32
        %parallel_loop3A_159 = arith.index_cast %parallel_loop3A_158 : i32 to index
        %parallel_loop3A_160 = tpu.vector_load %arg5[%parallel_loop3A_159] {strides = array<i32>} : memref<8192xf32, #tpu.memory_space<vmem>>, vector<16xf32>,
        %parallel_loop3A_161 = vector.shape_cast %parallel_loop3A_160 : vector<16xf32> to vector<16xf32>
        %parallel_loop3A_162 = arith.index_cast %parallel_loop3A_158 : i32 to index
        %parallel_loop3A_163 = tpu.vector_load %arg7[%parallel_loop3A_162] {strides = array<i32>} : memref<8192xf32, #tpu.memory_space<vmem>>, vector<16xf32>,
        %parallel_loop3A_164 = vector.shape_cast %parallel_loop3A_163 : vector<16xf32> to vector<16xf32>
        %parallel_loop3A_165 = vector.shape_cast %parallel_loop3A_161 : vector<16xf32> to vector<16xf32>
        tpu.vector_store %arg7[%parallel_loop3A_162], %parallel_loop3A_165 {strides = array<i32>} : memref<8192xf32, #tpu.memory_space<vmem>>, vector<16xf32>,
      } {sc.loop_unroll_factor = 8 : i64, sc.parallel_access}
      %rem3A_89 = arith.constant 4 : i32
      %rem3A_90 = arith.remsi %mul3A_70, %rem3A_89 : i32
      %div3A_91 = arith.constant 4 : i32
      %div3A_92 = arith.divsi %mul3A_70, %div3A_91 : i32
      %mul3A_93 = arith.constant 8192 : i32
      %mul3A_94 = arith.muli %rem3A_90, %mul3A_93 : i32
      %add3A_95 = arith.addi %mul3A_94, %mul3A_2 : i32
      %mul3A_96 = arith.constant 8 : i32
      %mul3A_97 = arith.muli %div3A_92, %mul3A_96 : i32
      %add3A_98 = arith.addi %add3A_95, %mul3A_97 : i32
      %mul3A_99 = arith.constant 1024 : i32
      %mul3A_100 = arith.muli %add3A_98, %mul3A_99 : i32
      %dma_start3A_101 = tpu.memref_slice %arg4[%mul3A_100] : memref<33554432xf32, #tpu.memory_space<hbm>> -> memref<8192xf32, #tpu.memory_space<hbm>>
      %dma_start3A_102 = tpu.memref_slice %arg4[%mul3A_100] : memref<33554432xf32, #tpu.memory_space<hbm>> -> memref<8192xf32, #tpu.memory_space<hbm>>
      tpu.enqueue_dma source(%arg7 : memref<8192xf32, #tpu.memory_space<vmem>>) target(%dma_start3A_102 : memref<8192xf32, #tpu.memory_space<hbm>>) target_semaphore(%arg12 : memref<!tpu.dma_semaphore, #tpu.memory_space<semaphore_mem>>)
      %add3A_103 = arith.constant 2 : i32
      %add3A_104 = arith.addi %mul3A_70, %add3A_103 : i32
      %lt3A = arith.constant 128 : i32
      %lt3A_105 = arith.cmpi slt, %add3A_104, %lt3A : i32
      %convert_element_type3A_106 = arith.extui %lt3A_105 : i1 to i32
      %cond3A_107 = arith.constant 0 : i32
      %cond3A_108 = arith.cmpi ne, %convert_element_type3A_106, %cond3A_107 : i32
      scf.if %cond3A_108 {
        %add3A_156 = arith.constant 2 : i32
        %add3A_157 = arith.addi %mul3A_70, %add3A_156 : i32
        %rem3A_158 = arith.constant 4 : i32
        %rem3A_159 = arith.remsi %add3A_157, %rem3A_158 : i32
        %div3A_160 = arith.constant 4 : i32
        %div3A_161 = arith.divsi %add3A_157, %div3A_160 : i32
        %mul3A_162 = arith.constant 8192 : i32
        %mul3A_163 = arith.muli %rem3A_159, %mul3A_162 : i32
        %add3A_164 = arith.addi %mul3A_163, %mul3A_2 : i32
        %mul3A_165 = arith.constant 8 : i32
        %mul3A_166 = arith.muli %div3A_161, %mul3A_165 : i32
        %add3A_167 = arith.addi %add3A_164, %mul3A_166 : i32
        %mul3A_168 = arith.constant 1024 : i32
        %mul3A_169 = arith.muli %add3A_167, %mul3A_168 : i32
        %dma_start3A_170 = tpu.memref_slice %arg2[%mul3A_169] : memref<33554432xf32, #tpu.memory_space<hbm>> -> memref<8192xf32, #tpu.memory_space<hbm>>
        %dma_start3A_171 = tpu.memref_slice %arg2[%mul3A_169] : memref<33554432xf32, #tpu.memory_space<hbm>> -> memref<8192xf32, #tpu.memory_space<hbm>>
        tpu.enqueue_dma source(%dma_start3A_171 : memref<8192xf32, #tpu.memory_space<hbm>>) target(%arg5 : memref<8192xf32, #tpu.memory_space<vmem>>) target_semaphore(%arg10 : memref<!tpu.dma_semaphore, #tpu.memory_space<semaphore_mem>>)
      } else {
      }
      %mul3A_109 = arith.constant 2 : i32
      %mul3A_110 = arith.muli %mul3A_109, %scan3A_68 : i32
      %add3A_111 = arith.constant 1 : i32
      %add3A_112 = arith.addi %mul3A_110, %add3A_111 : i32
      %rem3A_113 = arith.constant 4 : i32
      %rem3A_114 = arith.remsi %add3A_112, %rem3A_113 : i32
      %div3A_115 = arith.constant 4 : i32
      %div3A_116 = arith.divsi %add3A_112, %div3A_115 : i32
      %mul3A_117 = arith.constant 8192 : i32
      %mul3A_118 = arith.muli %rem3A_114, %mul3A_117 : i32
      %add3A_119 = arith.addi %mul3A_118, %mul3A_2 : i32
      %mul3A_120 = arith.constant 8 : i32
      %mul3A_121 = arith.muli %div3A_116, %mul3A_120 : i32
      %add3A_122 = arith.addi %add3A_119, %mul3A_121 : i32
      %mul3A_123 = arith.constant 1024 : i32
      %mul3A_124 = arith.muli %add3A_122, %mul3A_123 : i32
      %dma_wait3A_125 = tpu.memref_slice %arg2[%mul3A_124] : memref<33554432xf32, #tpu.memory_space<hbm>> -> memref<8192xf32, #tpu.memory_space<hbm>>
      %dma_wait3A_126 = tpu.memref_slice %arg2[%mul3A_124] : memref<33554432xf32, #tpu.memory_space<hbm>> -> memref<8192xf32, #tpu.memory_space<hbm>>
      tpu.wait_dma2 semaphore(%arg11 : memref<!tpu.dma_semaphore, #tpu.memory_space<semaphore_mem>>) src(%dma_wait3A_126 : memref<8192xf32, #tpu.memory_space<hbm>>) dst(%arg6 : memref<8192xf32, #tpu.memory_space<vmem>>)
      %gt3A_127 = arith.constant 0 : i32
      %gt3A_128 = arith.cmpi sgt, %scan3A_68, %gt3A_127 : i32
      %convert_element_type3A_129 = arith.extui %gt3A_128 : i1 to i32
      %cond3A_130 = arith.constant 0 : i32
      %cond3A_131 = arith.cmpi ne, %convert_element_type3A_129, %cond3A_130 : i32
      scf.if %cond3A_131 {
        %sub3A = arith.constant 2 : i32
        %sub3A_156 = arith.subi %add3A_112, %sub3A : i32
        %rem3A_157 = arith.constant 4 : i32
        %rem3A_158 = arith.remsi %sub3A_156, %rem3A_157 : i32
        %div3A_159 = arith.constant 4 : i32
        %div3A_160 = arith.divsi %sub3A_156, %div3A_159 : i32
        %mul3A_161 = arith.constant 8192 : i32
        %mul3A_162 = arith.muli %rem3A_158, %mul3A_161 : i32
        %add3A_163 = arith.addi %mul3A_162, %mul3A_2 : i32
        %mul3A_164 = arith.constant 8 : i32
        %mul3A_165 = arith.muli %div3A_160, %mul3A_164 : i32
        %add3A_166 = arith.addi %add3A_163, %mul3A_165 : i32
        %mul3A_167 = arith.constant 1024 : i32
        %mul3A_168 = arith.muli %add3A_166, %mul3A_167 : i32
        %dma_wait3A_169 = tpu.memref_slice %arg4[%mul3A_168] : memref<33554432xf32, #tpu.memory_space<hbm>> -> memref<8192xf32, #tpu.memory_space<hbm>>
        %dma_wait3A_170 = tpu.memref_slice %arg4[%mul3A_168] : memref<33554432xf32, #tpu.memory_space<hbm>> -> memref<8192xf32, #tpu.memory_space<hbm>>
        tpu.wait_dma2 semaphore(%arg13 : memref<!tpu.dma_semaphore, #tpu.memory_space<semaphore_mem>>) src(%arg8 : memref<8192xf32, #tpu.memory_space<vmem>>) dst(%dma_wait3A_170 : memref<8192xf32, #tpu.memory_space<hbm>>)
      } else {
      }
      %parallel_loop3A_132 = arith.constant 0 : i32
      %parallel_loop3A_133 = arith.constant 512 : i32
      %parallel_loop3A_134 = arith.constant 1 : i32
      scf.for %parallel_loop3A_156 = %parallel_loop3A_132 to %parallel_loop3A_133 step %parallel_loop3A_134  : i32 {
        %parallel_loop3A_157 = arith.constant 16 : i32
        %parallel_loop3A_158 = arith.muli %parallel_loop3A_156, %parallel_loop3A_157 : i32
        %parallel_loop3A_159 = arith.index_cast %parallel_loop3A_158 : i32 to index
        %parallel_loop3A_160 = tpu.vector_load %arg6[%parallel_loop3A_159] {strides = array<i32>} : memref<8192xf32, #tpu.memory_space<vmem>>, vector<16xf32>,
        %parallel_loop3A_161 = vector.shape_cast %parallel_loop3A_160 : vector<16xf32> to vector<16xf32>
        %parallel_loop3A_162 = arith.index_cast %parallel_loop3A_158 : i32 to index
        %parallel_loop3A_163 = tpu.vector_load %arg8[%parallel_loop3A_162] {strides = array<i32>} : memref<8192xf32, #tpu.memory_space<vmem>>, vector<16xf32>,
        %parallel_loop3A_164 = vector.shape_cast %parallel_loop3A_163 : vector<16xf32> to vector<16xf32>
        %parallel_loop3A_165 = vector.shape_cast %parallel_loop3A_161 : vector<16xf32> to vector<16xf32>
        tpu.vector_store %arg8[%parallel_loop3A_162], %parallel_loop3A_165 {strides = array<i32>} : memref<8192xf32, #tpu.memory_space<vmem>>, vector<16xf32>,
      } {sc.loop_unroll_factor = 8 : i64, sc.parallel_access}
      %rem3A_135 = arith.constant 4 : i32
      %rem3A_136 = arith.remsi %add3A_112, %rem3A_135 : i32
      %div3A_137 = arith.constant 4 : i32
      %div3A_138 = arith.divsi %add3A_112, %div3A_137 : i32
      %mul3A_139 = arith.constant 8192 : i32
      %mul3A_140 = arith.muli %rem3A_136, %mul3A_139 : i32
      %add3A_141 = arith.addi %mul3A_140, %mul3A_2 : i32
      %mul3A_142 = arith.constant 8 : i32
      %mul3A_143 = arith.muli %div3A_138, %mul3A_142 : i32
      %add3A_144 = arith.addi %add3A_141, %mul3A_143 : i32
      %mul3A_145 = arith.constant 1024 : i32
      %mul3A_146 = arith.muli %add3A_144, %mul3A_145 : i32
      %dma_start3A_147 = tpu.memref_slice %arg4[%mul3A_146] : memref<33554432xf32, #tpu.memory_space<hbm>> -> memref<8192xf32, #tpu.memory_space<hbm>>
      %dma_start3A_148 = tpu.memref_slice %arg4[%mul3A_146] : memref<33554432xf32, #tpu.memory_space<hbm>> -> memref<8192xf32, #tpu.memory_space<hbm>>
      tpu.enqueue_dma source(%arg8 : memref<8192xf32, #tpu.memory_space<vmem>>) target(%dma_start3A_148 : memref<8192xf32, #tpu.memory_space<hbm>>) target_semaphore(%arg13 : memref<!tpu.dma_semaphore, #tpu.memory_space<semaphore_mem>>)
      %add3A_149 = arith.constant 2 : i32
      %add3A_150 = arith.addi %add3A_112, %add3A_149 : i32
      %lt3A_151 = arith.constant 128 : i32
      %lt3A_152 = arith.cmpi slt, %add3A_150, %lt3A_151 : i32
      %convert_element_type3A_153 = arith.extui %lt3A_152 : i1 to i32
      %cond3A_154 = arith.constant 0 : i32
      %cond3A_155 = arith.cmpi ne, %convert_element_type3A_153, %cond3A_154 : i32
      scf.if %cond3A_155 {
        %add3A_156 = arith.constant 2 : i32
        %add3A_157 = arith.addi %add3A_112, %add3A_156 : i32
        %rem3A_158 = arith.constant 4 : i32
        %rem3A_159 = arith.remsi %add3A_157, %rem3A_158 : i32
        %div3A_160 = arith.constant 4 : i32
        %div3A_161 = arith.divsi %add3A_157, %div3A_160 : i32
        %mul3A_162 = arith.constant 8192 : i32
        %mul3A_163 = arith.muli %rem3A_159, %mul3A_162 : i32
        %add3A_164 = arith.addi %mul3A_163, %mul3A_2 : i32
        %mul3A_165 = arith.constant 8 : i32
        %mul3A_166 = arith.muli %div3A_161, %mul3A_165 : i32
        %add3A_167 = arith.addi %add3A_164, %mul3A_166 : i32
        %mul3A_168 = arith.constant 1024 : i32
        %mul3A_169 = arith.muli %add3A_167, %mul3A_168 : i32
        %dma_start3A_170 = tpu.memref_slice %arg2[%mul3A_169] : memref<33554432xf32, #tpu.memory_space<hbm>> -> memref<8192xf32, #tpu.memory_space<hbm>>
        %dma_start3A_171 = tpu.memref_slice %arg2[%mul3A_169] : memref<33554432xf32, #tpu.memory_space<hbm>> -> memref<8192xf32, #tpu.memory_space<hbm>>
        tpu.enqueue_dma source(%dma_start3A_171 : memref<8192xf32, #tpu.memory_space<hbm>>) target(%arg6 : memref<8192xf32, #tpu.memory_space<vmem>>) target_semaphore(%arg11 : memref<!tpu.dma_semaphore, #tpu.memory_space<semaphore_mem>>)
      } else {
      }
    }
    %scan3A_36 = arith.constant 64 : i32
    %rem3A_37 = arith.constant 126 : i32
    %rem3A_38 = arith.constant 4 : i32
    %rem3A_39 = arith.remsi %rem3A_37, %rem3A_38 : i32
    %div3A_40 = arith.constant 126 : i32
    %div3A_41 = arith.constant 4 : i32
    %div3A_42 = arith.divsi %div3A_40, %div3A_41 : i32
    %mul3A_43 = arith.constant 8192 : i32
    %mul3A_44 = arith.muli %rem3A_39, %mul3A_43 : i32
    %add3A_45 = arith.addi %mul3A_44, %mul3A_2 : i32
    %mul3A_46 = arith.constant 8 : i32
    %mul3A_47 = arith.muli %div3A_42, %mul3A_46 : i32
    %add3A_48 = arith.addi %add3A_45, %mul3A_47 : i32
    %mul3A_49 = arith.constant 1024 : i32
    %mul3A_50 = arith.muli %add3A_48, %mul3A_49 : i32
    %dma_wait3A = tpu.memref_slice %arg4[%mul3A_50] : memref<33554432xf32, #tpu.memory_space<hbm>> -> memref<8192xf32, #tpu.memory_space<hbm>>
    %dma_wait3A_51 = tpu.memref_slice %arg4[%mul3A_50] : memref<33554432xf32, #tpu.memory_space<hbm>> -> memref<8192xf32, #tpu.memory_space<hbm>>
    tpu.wait_dma2 semaphore(%arg12 : memref<!tpu.dma_semaphore, #tpu.memory_space<semaphore_mem>>) src(%arg7 : memref<8192xf32, #tpu.memory_space<vmem>>) dst(%dma_wait3A_51 : memref<8192xf32, #tpu.memory_space<hbm>>)
    %rem3A_52 = arith.constant 127 : i32
    %rem3A_53 = arith.constant 4 : i32
    %rem3A_54 = arith.remsi %rem3A_52, %rem3A_53 : i32
    %div3A_55 = arith.constant 127 : i32
    %div3A_56 = arith.constant 4 : i32
    %div3A_57 = arith.divsi %div3A_55, %div3A_56 : i32
    %mul3A_58 = arith.constant 8192 : i32
    %mul3A_59 = arith.muli %rem3A_54, %mul3A_58 : i32
    %add3A_60 = arith.addi %mul3A_59, %mul3A_2 : i32
    %mul3A_61 = arith.constant 8 : i32
    %mul3A_62 = arith.muli %div3A_57, %mul3A_61 : i32
    %add3A_63 = arith.addi %add3A_60, %mul3A_62 : i32
    %mul3A_64 = arith.constant 1024 : i32
    %mul3A_65 = arith.muli %add3A_63, %mul3A_64 : i32
    %dma_wait3A_66 = tpu.memref_slice %arg4[%mul3A_65] : memref<33554432xf32, #tpu.memory_space<hbm>> -> memref<8192xf32, #tpu.memory_space<hbm>>
    %dma_wait3A_67 = tpu.memref_slice %arg4[%mul3A_65] : memref<33554432xf32, #tpu.memory_space<hbm>> -> memref<8192xf32, #tpu.memory_space<hbm>>
    tpu.wait_dma2 semaphore(%arg13 : memref<!tpu.dma_semaphore, #tpu.memory_space<semaphore_mem>>) src(%arg8 : memref<8192xf32, #tpu.memory_space<vmem>>) dst(%dma_wait3A_67 : memref<8192xf32, #tpu.memory_space<hbm>>)
    return
  }
}

</mosaic_0001>

<sc_bundles>
// kernel: kernel.3.cloned.1.call-start
scs
__scs_entry_jumppad:
0x0: {  	(pc) =	sbr.rel $0x88, $3  }
0x1: {  	(tag) =	ssettag $0x0;
	lr =	simm.s32 $0x1  }
0x2: {  	[smem:$0x3F9F] =	sst lr;
	_ =	strace $0xD0000000  }
0x3: {  	_ = 	snop  }
0x4: {  	_ = 	snop  }
0x5: {  	_ = 	snop  }
0x6: {  	_ = 	snop  }
0x7: {  	_ = 	snop  }
__scs_overlays_trampoline_lowered:
0x8: {  	[smem:$0x3FAE] =	sst s0  }
0x9: {  	[smem:$0x3FAF] =	sst s1  }
0xa: {  	[smem:$0x3FB0] =	sst s2  }
0xb: {  	[smem:$0x3FB1] =	sst s3  }
0xc: {  	[smem:$0x3FB2] =	sst s4  }
0xd: {  	[smem:$0x3FB3] =	sst s5  }
0xe: {  	[smem:$0x3FB4] =	sst s6  }
0xf: {  	[smem:$0x3FB5] =	sst s7  }
0x10: {  	[smem:$0x3FB6] =	sst s8  }
0x11: {  	[smem:$0x3FB7] =	sst s9;
	s0 =	simm.s32 @!p0 $0x0  }
0x12: {  	s1 =	sld [smem:$0x3F9D];
	s0 =	simm.s32 @p0 $0x1  }
0x13: {  	[smem:$0x3FB8] =	sst s0;
	s0 =	simm.s32 @!p1 $0x0  }
0x14: {  	s2 =	sld [smem:$0x3F9C];
	s0 =	simm.s32 @p1 $0x1  }
0x15: {  	[smem:$0x3FB9] =	sst s0;
	s0 =	simm.s32 @!p2 $0x0  }
0x16: {  	s3 =	sld [smem:$0x3FDB];
	s0 =	simm.s32 @p2 $0x1  }
0x17: {  	s4 =	simm.s32 $0x1BF5;
	[smem:$0x3FBB] =	sst s0  }
0x18: {  	s0 =	sld [smem:$0x3F9E];
	_ =	swait.ge [sflag:s4], $0x0  }
0x19: {  	s7 =	sld [smem:$0x3F9F]  }
0x1a: {  	s8 =	sadd.s32 $0xFFFFE003, lr  }
0x1b: {  	s9 =	sadd.s32 $0xFFFFFEF7, lr;
	s5 =	simm.s32 $0xFFFFFFFF;
	p2 =	slt.u32 s8, $0xFFFFF086  }
0x1c: {  	p1 =	slt.u32 s9, $0xF7A;
	s5 =	simm.s32 @!p2 $0x0  }
0x1d: {  	s5 =	simm.s32 @p1 $0x1;
	p0 =	seq.s32 s7, s2  }
0x1e: {  	s7 =	smul.u32 @!p0 $0xF7A, s2;
	p2 =	seq.s32 @!p0 s5, $0x0  }
0x1f: {  	s9 =	smul.u32 $0xF7A, s1;
	s8 =	simm.s32 @!p0 $0x1BF5;
	p2 =	por !p2, p0  }
0x20: {  	[sflag:s8] =	ssyncset.s32 @!p0 $0xFFFFF086;
	s6 =	sadd.s32 @!p0 s3, s7;
	s7 =	simm.s32 @!p0 $0x108  }
0x21: {  	s3 =	sadd.s32 s3, s9;
	s6 =	sadd.s32 @!p0 $0x88, s6;
	s7 =	simm.s32 @p2 $0x1082  }
0x22: {  	[simem:s7], [sflag:s8] =	dma.local @!p0 [hbm:s6], $0xF7A  }
0x23: {  	s9 =	sor.u32 $0xD0000000, s2;
	s6 =	simm.s32 $0x108;
	_ =	swait.ge @!p0 [sflag:s8], $0x0  }
0x24: {  	s3 =	sadd.s32 $0x88, s3;
	s6 =	simm.s32 @!p1 $0x1082;
	[sflag:s4] =	ssyncset.s32 $0xFFFFF086  }
0x25: {  	[simem:s6], [sflag:s4] =	dma.local [hbm:s3], $0xF7A  }
0x26: {  	[smem:$0x3F9F] =	sst s1;
	(tag) =	ssettag s2;
	_ =	strace s9  }
0x27: {  	s1 =	sld [smem:$0x3FAF]  }
0x28: {  	s2 =	sld [smem:$0x3FB0]  }
0x29: {  	s4 =	sld [smem:$0x3FB2]  }
0x2a: {  	p0 =	seq.s32 s5, $0x0;
	s5 =	sld [smem:$0x3FB3]  }
0x2b: {  	s6 =	sld [smem:$0x3FB4]  }
0x2c: {  	s7 =	sld [smem:$0x3FB5]  }
0x2d: {  	s3 =	simm.s32 $0x108;
	s8 =	sld [smem:$0x3FB6]  }
0x2e: {  	s3 =	simm.s32 @!p0 $0x1082;
	s9 =	sld [smem:$0x3FB7]  }
0x2f: {  	lr =	sadd.s32 s0, s3;
	s0 =	sld [smem:$0x3FAE]  }
0x30: {  	s3 =	sld [smem:$0x3FB1]  }
0x31: {  	[smem:$0x3FBA] =	sst s10  }
0x32: {  	s10 =	sld [smem:$0x3FB8];
	_ =	sdelay $0x3  }
0x33: {  	p0 =	seq.s32 s10, $0x1;
	s10 =	sld [smem:$0x3FBA];
	_ =	sdelay $0x3  }
0x34: {  	[smem:$0x3FBA] =	sst s10  }
0x35: {  	s10 =	sld [smem:$0x3FB9];
	_ =	sdelay $0x3  }
0x36: {  	p1 =	seq.s32 s10, $0x1;
	s10 =	sld [smem:$0x3FBA];
	_ =	sdelay $0x3  }
0x37: {  	[smem:$0x3FBA] =	sst s10  }
0x38: {  	s10 =	sld [smem:$0x3FBB]  }
0x39: {  	_ = 	snop;
	(pc) =	sbr.ind lr, $3  }
0x3a: {  	_ = 	snop  }
0x3b: {  	_ = 	snop  }
0x3c: {  	p2 =	seq.s32 s10, $0x1;
	s10 =	sld [smem:$0x3FBA]  }
0x3d: {  	_ =	shalt  }
0x3e: {  	_ =	shalt  }
0x3f: {  	_ =	shalt  }
0x40: {  	_ =	shalt  }
0x41: {  	_ =	shalt  }
0x42: {  	_ =	shalt  }
0x43: {  	_ =	shalt  }
0x44: {  	_ =	shalt  }
0x45: {  	_ =	shalt  }
0x46: {  	_ =	shalt  }
0x47: {  	_ =	shalt  }
0x48: {  	_ =	shalt  }
0x49: {  	_ =	shalt  }
0x4a: {  	_ =	shalt  }
0x4b: {  	_ =	shalt  }
0x4c: {  	_ =	shalt  }
0x4d: {  	_ =	shalt  }
0x4e: {  	_ =	shalt  }
0x4f: {  	_ =	shalt  }
0x50: {  	_ =	shalt  }
0x51: {  	_ =	shalt  }
0x52: {  	_ =	shalt  }
0x53: {  	_ =	shalt  }
0x54: {  	_ =	shalt  }
0x55: {  	_ =	shalt  }
0x56: {  	_ =	shalt  }
0x57: {  	_ =	shalt  }
0x58: {  	_ =	shalt  }
0x59: {  	_ =	shalt  }
0x5a: {  	_ =	shalt  }
0x5b: {  	_ =	shalt  }
0x5c: {  	_ =	shalt  }
0x5d: {  	_ =	shalt  }
0x5e: {  	_ =	shalt  }
0x5f: {  	_ =	shalt  }
0x60: {  	_ =	shalt  }
0x61: {  	_ =	shalt  }
0x62: {  	_ =	shalt  }
0x63: {  	_ =	shalt  }
0x64: {  	_ =	shalt  }
0x65: {  	_ =	shalt  }
0x66: {  	_ =	shalt  }
0x67: {  	_ =	shalt  }
0x68: {  	_ =	shalt  }
0x69: {  	_ =	shalt  }
0x6a: {  	_ =	shalt  }
0x6b: {  	_ =	shalt  }
0x6c: {  	_ =	shalt  }
0x6d: {  	_ =	shalt  }
0x6e: {  	_ =	shalt  }
0x6f: {  	_ =	shalt  }
0x70: {  	_ =	shalt  }
0x71: {  	_ =	shalt  }
0x72: {  	_ =	shalt  }
0x73: {  	_ =	shalt  }
0x74: {  	_ =	shalt  }
0x75: {  	_ =	shalt  }
0x76: {  	_ =	shalt  }
0x77: {  	_ =	shalt  }
0x78: {  	_ =	shalt  }
0x79: {  	_ =	shalt  }
0x7a: {  	_ =	shalt  }
0x7b: {  	_ =	shalt  }
0x7c: {  	_ =	shalt  }
0x7d: {  	_ =	shalt  }
0x7e: {  	_ =	shalt  }
0x7f: {  	_ =	shalt  }
0x80: {  	_ =	shalt  }
0x81: {  	_ =	shalt  }
0x82: {  	_ =	shalt  }
0x83: {  	_ =	shalt  }
0x84: {  	_ =	shalt  }
0x85: {  	_ =	shalt  }
0x86: {  	_ =	shalt  }
0x87: {  	_ =	shalt  }
.Lfunc_end0:
.L_simem_size_0:
called_computation.2_lowered:
.L_overlay_start_0:
0x88: {  	s2 =	sld [smem:$0x3FD9]  }
0x89: {  	s3 =	sld [smem:$0x3FFE];
	_ =	sdelay $0x1  }
0x8a: {  	s1 =	srdreg.scid  }
0x8b: {  	s0 =	sand.u32 $0x1, s1  }
0x8c: {  	s17 =	sshll.u32 s0, $0xA;
	s2 =	sadd.s32 s3, s2  }
0x8d: {  	s2 =	sadd.s32 s2, s17  }
0x8e: {  	[smem:$0x3FC6] =	sst s2  }
0x8f: {  	_ = 	snop  }
0x90: {  	s2 =	sld [smem:$0x3FD0];
	(tm) =	ssettm $0x1  }
0x91: {  	s18 =	sld [smem:$0x3FFB];
	_ =	sdelay $0x3  }
0x92: {  	_ =	strace s18  }
0x93: {  	s3 =	sld [smem:$0x3FFC];
	_ =	sdelay $0x3  }
0x94: {  	_ =	strace s3  }
0x95: {  	s3 =	sld [smem:$0x3FFD];
	_ =	sdelay $0x3  }
0x96: {  	_ =	strace s3  }
0x97: {  	_ =	strace $0x8FFFFFFF  }
0x98: {  	s19 =	sld [smem:$0x3FDB];
	_ =	sdelay $0x1  }
0x99: {  	s4 =	simm.s32 $_scs_section_size  }
0x9a: {  	s5 =	simm.s32 $_size__tile_overlayer_lowered;
	s6 =	simm.s32 $_tile_overlayer_lowered  }
0x9b: {  	s22 =	simm.s32 $0x1BFF;
	s21 =	sshll.u32 s6, $0x1;
	s3 =	sadd.s32 s4, s19  }
0x9c: {  	s7 =	simm.s32 $0x0;
	s20 =	sshll.u32 s5, $0x1;
	s5 =	sadd.s32 s21, s3  }
0x9d: {  	[timem:s7], [sflag:s22] =	dma.local [hbm:s5], s20  }
0x9e: {  	_ =	swait.ge [sflag:s22], s20  }
0x9f: {  	s4 =	ssub.s32 $0x0, s20;
	[sflag:s22] =	ssyncset.done $0x0  }
0xa0: {  	[sflag:s22] =	ssyncadd.s32 s4;
	_ =	sdelay $0x1  }
0xa1: {  	s23 =	simm.s32 $0x1B8B  }
0xa2: {  	_ =	swait.ge [sflag:s23], $0x1  }
0xa3: {  	[sflag:s23] =	ssyncset.done $0x0  }
0xa4: {  	s25 =	simm.s32 $0x1B8E;
	s24 =	sld [smem:$0x3FFE];
	[sflag:s23] =	ssyncadd.s32 $0xFFFFFFFF  }
0xa5: {  	s26 =	simm.s32 $execute0_lowered;
	[smem:$0x3FD2] =	sst s25  }
0xa6: {  	s5 =	sshll.u32 s26, $0x1;
	_ =	strace $0x8000004C;
	[dreg:$0x1] =	wrdreg $0xFFFFFFFF  }
0xa7: {  	s28 =	simm.s32 $_size_execute0_lowered;
	s3 =	sadd.s32 s3, s5;
	[dreg:$0x0] =	wrdreg $0x0  }
0xa8: {  	s5 =	sshll.u32 s28, $0x1;
	[dreg:$0x2] =	wrdreg s3  }
0xa9: {  	[dreg:$0x3] =	wrdreg s5  }
0xaa: {  	[dreg:$0x4] =	wrdreg $0xC0  }
0xab: {  	_ =	task [dreg:s7], $0x5FFFF  }
0xac: {  	[dreg:$0x1] =	wrdreg $0xFFFFFFFF  }
0xad: {  	[dreg:$0x0] =	wrdreg $0x60  }
0xae: {  	[dreg:$0x2] =	wrdreg s2  }
0xaf: {  	[dreg:$0x3] =	wrdreg s24  }
0xb0: {  	[dreg:$0x4] =	wrdreg $0x9  }
0xb1: {  	_ =	task.clear_ibuf [dreg:s7], $0x5FFFF;
	_ =	strace $0x9000004C  }
0xb2: {  	s29 =	simm.s32 $0x9;
	_ =	strace $0x8000004E  }
0xb3: {  	_ =	swait.ge [sflag:s29], $0x1  }
0xb4: {  	[sflag:s29] =	ssyncadd.s32 $0xFFFFFFFF  }
0xb5: {  	_ =	strace $0x9000004E  }
0xb6: {  	_ =	sfence  }
0xb7: {  	s30 =	sld [smem:$0x0];
	_ =	sdelay $0x2  }
0xb8: {  	s31 =	sshll.u32 s1, $0xD;
	s1 =	sshrl.u32 s1, $0x2  }
0xb9: {  	s3 =	sand.u32 $0x4000, s31;
	s1 =	sadd.s32 s1, s30  }
0xba: {  	s0 =	sor.u32 s3, s0;
	s1 =	sshll.u32 s1, $0x11  }
0xbb: {  	s0 =	sor.u32 s1, s0  }
0xbc: {  	s0 =	sadd.s32 $0x8F2B, s0  }
0xbd: {  	[sflag:s0] =	ssyncadd.remote.s32 $0x1  }
0xbe: {  	_ =	sfence.sel $0xFFFF  }
0xbf: {  	[dreg:$0x0] =	wrdreg $0xFFFFFFFF;
	(pc) =	sbr.abs _section_cstart, $3  }
0xc0: {  	[dreg:$0x1] =	wrdreg $0xFFFFFFFF  }
0xc1: {  	_ =	task.clear_ibuf [dreg:s7], $0x2FFFF;
	_ =	strace $0x9FFFFFFF  }
0xc2: {  	(tm) =	ssettm $0x7FFFFFFF  }
0xc3: {  	_ =	shalt  }
tec
execute0_lowered:
.L_overlay_start_1:
0x0: {  	(tag) =	ssettag $0x1  }
0x1: {  	s4 =	rddreg [dreg:$0x0]  }
0x2: {  	s5 =	rddreg [dreg:$0x1]  }
0x3: {  	s2 =	srdreg.scid;
	s0 =	rddreg [dreg:$0x2]  }
0x4: {  	s1 =	stileid.u32;
	s9 =	simm.s32 $0x1;
	s10 =	simm.s32 $0x4000  }
0x5: {  	s11 =	simm.s32 $0x2;
	s12 =	simm.s32 $0x6000;
	s13 =	simm.s32 $0x3  }
0x6: {  	s14 =	simm.s32 $0x4;
	s15 =	simm.s32 $0x0;
	s3 =	sand.u32 $0x1, s2  }
.Ltmp0:
0x7: {  	s2 =	simm.s32 $0x0;
	s6 =	sshll.u32 s1, $0x10;
	(pc) =	sbr.rel .LBB2_1-.Ltmp0, $4  }
0x8: {  	s5 =	sadd.s32 $0x100C00, s5;
	s7 =	sshll.u32 s3, $0xF;
	s8 =	ssub.s32 $0x2, s3  }
0x9: {  	[smem:$0x7FF] =	sst s2;
	s3 =	sor.u32 s7, s6;
	s30 =	sshrl.u32 s8, $0x1  }
0xa: {  	_ =	strace $0x8000004D;
	s4 =	sadd.s32 s4, s3;
	s31 =	ssub.s32 s8, s30  }
0xb: {  	s8 =	simm.s32 $0x2000;
	s6 =	sadd.s32 $0x100000, s4;
	s7 =	smax.u32 s31, $0x1  }
.LBB2_8:
0xc: {  	s15 =	sadd.s32 $0x1, s15  }
0xd: {  	_ =	swait.ge [sflag:s13], $0x2000;
	p0 =	sne.s32 s15, s7  }
.Ltmp1:
0xe: {  	[sflag:s13] =	ssyncset.done $0x0;
	(pc) =	sbr.rel @!p0 .LBB2_9-.Ltmp1, $4  }
0xf: {  	[sflag:s13] =	ssyncadd.s32 $0xFFFFE000  }
0x10: {  	_ =	swait.ge [sflag:s14], $0x2000  }
0x11: {  	[sflag:s14] =	ssyncset.done $0x0  }
0x12: {  	[sflag:s14] =	ssyncadd.s32 $0xFFFFE000  }
.LBB2_1:
0x13: {  	[tilespmem:s2], [sflag:$0x1] =	stream.linear.gather [hbm4b:s4+s2], $0x2000, $0x38;
	[tilespmem:$0x8000] =	vst v63  }
0x14: {  	s16 =	simm.s32 $0x0  }
0x15: {  	[tilespmem:s8], [sflag:$0x2] =	stream.linear.gather [hbm4b:s6+s2], $0x2000, $0x38;
	[tilespmem:$0x8000] =	vst v63  }
.LBB2_2:
0x16: {  	_ =	swait.ge [sflag:s9], $0x2000  }
0x17: {  	p0 =	seq.s32 s16, $0x0;
	[sflag:s9] =	ssyncset.done $0x0  }
0x18: {  	s17 =	simm.s32 @!p0 $0x3;
	[sflag:s9] =	ssyncadd.s32 $0xFFFFE000  }
0x19: {  	_ =	swait.ge @!p0 [sflag:s17], $0x2000  }
0x1a: {  	[sflag:s17] =	ssyncset.done @!p0 $0x0  }
0x1b: {  	s22 =	simm.s32 $0x40;
	[sflag:s17] =	ssyncadd.s32 @!p0 $0xFFFFE000  }
0x1c: {  	v3 =	vld [tilespmem:s22+$0x30]  }
0x1d: {  	v4 =	vld [tilespmem:s22+$0xFFFFFFD0]  }
0x1e: {  	v5 =	vld [tilespmem:s22+$0xFFFFFFE0]  }
0x1f: {  	v0 =	vld [tilespmem:s22+$0xFFFFFFF0]  }
0x20: {  	s20 =	simm.s32 $0x4040;
	v1 =	vld [tilespmem:s22+$0x0]  }
0x21: {  	s18 =	sshll.u32 s16, $0x9;
	s19 =	sshll.u32 s16, $0x15;
	v2 =	vld [tilespmem:s22+$0x10];
	[tilespmem:s20+$0x30] =	vst v3  }
0x22: {  	s21 =	simm.s32 $0x0;
	s18 =	sand.u32 $0x7C00, s18;
	s19 =	sand.u32 $0x200000, s19;
	[tilespmem:s20+$0xFFFFFFD0] =	vst v4;
	v3 =	vld [tilespmem:s22+$0x20]  }
0x23: {  	s19 =	sor.u32 s3, s19;
	s17 =	sshll.u32 s16, $0x1;
	v4 =	vld [tilespmem:s22+$0xFFFFFFC0];
	[tilespmem:s20+$0xFFFFFFE0] =	vst v5;
	s22 =	simm.s32 $0xC0  }
.LBB2_3:
0x24: {  	v5 =	vld [tilespmem:s22+$0x30];
	s21 =	sadd.s32 $0x8, s21;
	[tilespmem:s20+$0xFFFFFFF0] =	vst v0  }
0x25: {  	v6 =	vld [tilespmem:s22+$0xFFFFFFD0];
	p1 =	slt.u32 s21, $0x1F8;
	[tilespmem:s20+$0x0] =	vst v1  }
0x26: {  	v7 =	vld [tilespmem:s22+$0xFFFFFFE0];
	[tilespmem:s20+$0x10] =	vst v2  }
.Ltmp2:
0x27: {  	v0 =	vld [tilespmem:s22+$0xFFFFFFF0];
	[tilespmem:s20+$0x20] =	vst v3;
	(pc) =	sbr.rel @p1 .LBB2_3-.Ltmp2, $4  }
0x28: {  	v1 =	vld [tilespmem:s22+$0x0];
	[tilespmem:s20+$0xFFFFFFC0] =	vst v4;
	s20 =	sadd.s32 $0x80, s20  }
0x29: {  	v2 =	vld [tilespmem:s22+$0x10];
	[tilespmem:s20+$0x30] =	vst v5  }
0x2a: {  	[tilespmem:s20+$0xFFFFFFD0] =	vst v6;
	v3 =	vld [tilespmem:s22+$0x20]  }
0x2b: {  	v4 =	vld [tilespmem:s22+$0xFFFFFFC0];
	[tilespmem:s20+$0xFFFFFFE0] =	vst v7;
	s22 =	sadd.s32 $0x80, s22  }
0x2c: {  	[tilespmem:s20+$0xFFFFFFF0] =	vst v0  }
0x2d: {  	[tilespmem:s20+$0x0] =	vst v1  }
0x2e: {  	[tilespmem:s20+$0x10] =	vst v2  }
0x2f: {  	s18 =	sadd.s32 s5, s18;
	p1 =	seq.s32 s16, $0x3F;
	[tilespmem:s20+$0x20] =	vst v3  }
0x30: {  	s31 =	sadd.s32 s19, s18;
	[tilespmem:s20+$0xFFFFFFC0] =	vst v4;
	s20 =	sadd.s32 @!p1 $0x2, s17  }
0x31: {  	[hbm4b:s31+s2] =	stream.linear.scatter [tilespmem:s10], [sflag:$0x3], $0x2000, $0x38;
	[tilespmem:$0x8000] =	vst v63  }
0x32: {  	s21 =	sshll.u32 @!p1 s20, $0x14  }
0x33: {  	s20 =	sshll.u32 @!p1 s20, $0x8;
	s21 =	sand.u32 @!p1 $0x200000, s21  }
0x34: {  	s20 =	sand.u32 @!p1 $0xFC00, s20;
	s21 =	sadd.s32 @!p1 s21, s4  }
0x35: {  	s20 =	sadd.s32 @!p1 s20, s21;
	s21 =	simm.s32 @!p1 $0x0  }
0x36: {  	[tilespmem:s21], [sflag:$0x1] =	stream.linear.gather @!p1 [hbm4b:s20+s21], $0x2000, $0x38;
	[tilespmem:$0x8000] =	vst v63  }
0x37: {  	_ =	swait.ge [sflag:s11], $0x2000  }
0x38: {  	[sflag:s11] =	ssyncset.done $0x0  }
0x39: {  	s20 =	simm.s32 @!p0 $0x4;
	[sflag:s11] =	ssyncadd.s32 $0xFFFFE000  }
0x3a: {  	_ =	swait.ge @!p0 [sflag:s20], $0x2000  }
0x3b: {  	[sflag:s20] =	ssyncset.done @!p0 $0x0  }
0x3c: {  	s22 =	simm.s32 $0x2040;
	[sflag:s20] =	ssyncadd.s32 @!p0 $0xFFFFE000  }
0x3d: {  	v3 =	vld [tilespmem:s22+$0x30]  }
0x3e: {  	v4 =	vld [tilespmem:s22+$0xFFFFFFD0]  }
0x3f: {  	v5 =	vld [tilespmem:s22+$0xFFFFFFE0]  }
0x40: {  	v0 =	vld [tilespmem:s22+$0xFFFFFFF0]  }
0x41: {  	s20 =	simm.s32 $0x6040;
	v1 =	vld [tilespmem:s22+$0x0]  }
0x42: {  	v2 =	vld [tilespmem:s22+$0x10];
	[tilespmem:s20+$0x30] =	vst v3  }
0x43: {  	[tilespmem:s20+$0xFFFFFFD0] =	vst v4;
	v3 =	vld [tilespmem:s22+$0x20]  }
0x44: {  	s19 =	sor.u32 $0x100000, s19;
	s21 =	simm.s32 $0x0;
	v4 =	vld [tilespmem:s22+$0xFFFFFFC0];
	[tilespmem:s20+$0xFFFFFFE0] =	vst v5;
	s22 =	simm.s32 $0x20C0  }
.LBB2_5:
0x45: {  	v5 =	vld [tilespmem:s22+$0x30];
	s21 =	sadd.s32 $0x8, s21;
	[tilespmem:s20+$0xFFFFFFF0] =	vst v0  }
0x46: {  	v6 =	vld [tilespmem:s22+$0xFFFFFFD0];
	p0 =	slt.u32 s21, $0x1F8;
	[tilespmem:s20+$0x0] =	vst v1  }
0x47: {  	v7 =	vld [tilespmem:s22+$0xFFFFFFE0];
	[tilespmem:s20+$0x10] =	vst v2  }
.Ltmp3:
0x48: {  	v0 =	vld [tilespmem:s22+$0xFFFFFFF0];
	[tilespmem:s20+$0x20] =	vst v3;
	(pc) =	sbr.rel @p0 .LBB2_5-.Ltmp3, $4  }
0x49: {  	v1 =	vld [tilespmem:s22+$0x0];
	[tilespmem:s20+$0xFFFFFFC0] =	vst v4;
	s20 =	sadd.s32 $0x80, s20  }
0x4a: {  	v2 =	vld [tilespmem:s22+$0x10];
	[tilespmem:s20+$0x30] =	vst v5  }
0x4b: {  	[tilespmem:s20+$0xFFFFFFD0] =	vst v6;
	v3 =	vld [tilespmem:s22+$0x20]  }
0x4c: {  	v4 =	vld [tilespmem:s22+$0xFFFFFFC0];
	[tilespmem:s20+$0xFFFFFFE0] =	vst v7;
	s22 =	sadd.s32 $0x80, s22  }
0x4d: {  	[tilespmem:s20+$0xFFFFFFF0] =	vst v0  }
.Ltmp4:
0x4e: {  	[tilespmem:s20+$0x0] =	vst v1;
	(pc) =	sbr.rel @p1 .LBB2_8-.Ltmp4, $4  }
0x4f: {  	[tilespmem:s20+$0x10] =	vst v2  }
0x50: {  	[tilespmem:s20+$0x20] =	vst v3  }
0x51: {  	s18 =	sadd.s32 s19, s18;
	[tilespmem:s20+$0xFFFFFFC0] =	vst v4  }
0x52: {  	[hbm4b:s18+s2] =	stream.linear.scatter [tilespmem:s12], [sflag:$0x4], $0x2000, $0x38;
	[tilespmem:$0x8000] =	vst v63  }
0x53: {  	s17 =	sadd.s32 $0x3, s17  }
.Ltmp5:
0x54: {  	s18 =	sshll.u32 s17, $0x14;
	(pc) =	sbr.rel .LBB2_2-.Ltmp5, $4  }
0x55: {  	s17 =	sshll.u32 s17, $0x8;
	s18 =	sand.u32 $0x300000, s18  }
0x56: {  	s17 =	sand.u32 $0xFC00, s17;
	s18 =	sadd.s32 s18, s4  }
0x57: {  	s16 =	sadd.s32 $0x1, s16;
	s17 =	sadd.s32 s17, s18  }
0x58: {  	[tilespmem:s8], [sflag:$0x2] =	stream.linear.gather [hbm4b:s17+s2], $0x2000, $0x38;
	[tilespmem:$0x8000] =	vst v63  }
.LBB2_9:
0x59: {  	_ =	sfence.sel $0x180000  }
0x5a: {  	[bflag:$0x0] =	sbarrier.arrive $0xFFFF  }
0x5b: {  	p0 =	sne.s32 s1, $0x0;
	_ =	strace $0x9000004D  }
0x5c: {  	s0 =	sadd.s32 @!p0 $0x100000, s0;
	[bflag:$0x2] =	sbarrier.arrive $0xFFFF  }
0x5d: {  	[sflag:s0] =	ssyncadd.tile.s32 @!p0 $0x1;
	_ =	shalt  }
.Lfunc_end2:
_tile_overlayer_lowered:
.L_overlay_start_2:
0x5e: {  	(tag) =	ssettag $0x2  }
0x5f: {  	s0 =	rddreg [dreg:$0x0];
	s2 =	stileid.u32  }
0x60: {  	s1 =	rddreg [dreg:$0x1];
	p0 =	sne.s32 s2, $0x0  }
0x61: {  	s3 =	rddreg [dreg:$0x2];
	[bflag:$0x3] =	sbarrier.arrive $0xFFFF;
	s2 =	simm.s32 @!p0 $0x1C05  }
0x62: {  	[timem:s3], [sflag:s2] =	dma.local @!p0 [hbm:s0], s1  }
0x63: {  	s0 =	simm.s32 @!p0 $0x5  }
0x64: {  	_ =	swait.ge @!p0 [sflag:s0], s1  }
0x65: {  	s1 =	ssub.s32 @!p0 $0x0, s1;
	[sflag:s0] =	ssyncset.done @!p0 $0x0  }
0x66: {  	[sflag:s0] =	ssyncadd.s32 @!p0 s1  }
0x67: {  	[bflag:$0x3] =	sbarrier.arrive $0xFFFF  }
0x68: {  	_ =	shalt  }

// kernel: sparse-core-data-format-call.1.cloned.1.call-start
scs
called_computation.1_lowered:
.L_overlay_start_0:
0x0: {  	s2 =	sld [smem:$0x3FD9]  }
0x1: {  	s3 =	sld [smem:$0x3FFE];
	_ =	sdelay $0x1  }
0x2: {  	s1 =	srdreg.scid  }
0x3: {  	s0 =	sand.u32 $0x1, s1  }
0x4: {  	s19 =	sshll.u32 s0, $0xA;
	s2 =	sadd.s32 s3, s2  }
0x5: {  	s2 =	sadd.s32 s2, s19  }
0x6: {  	[smem:$0x3FC6] =	sst s2  }
0x7: {  	_ = 	snop  }
0x8: {  	s20 =	sld [smem:$0x3FC9]  }
0x9: {  	s4 =	sld [smem:$0x3FD0];
	(tm) =	ssettm $0x1  }
0xa: {  	s21 =	sld [smem:$0x3FFB];
	_ =	sdelay $0x3  }
0xb: {  	_ =	strace s21  }
0xc: {  	s2 =	sld [smem:$0x3FFC];
	_ =	sdelay $0x3  }
0xd: {  	_ =	strace s2  }
0xe: {  	s2 =	sld [smem:$0x3FFD];
	_ =	sdelay $0x3  }
0xf: {  	_ =	strace s2  }
0x10: {  	_ =	strace $0x8FFFFFFF  }
0x11: {  	s22 =	sld [smem:$0x3FDB];
	_ =	sdelay $0x1  }
0x12: {  	s5 =	simm.s32 $_scs_section_size  }
0x13: {  	s6 =	simm.s32 $_size__tile_overlayer_lowered;
	s7 =	simm.s32 $_tile_overlayer_lowered  }
0x14: {  	s8 =	simm.s32 $0x1BFF;
	s23 =	sshll.u32 s7, $0x1;
	s5 =	sadd.s32 s5, s22  }
0x15: {  	s24 =	simm.s32 $0x0;
	s6 =	sshll.u32 s6, $0x1;
	s7 =	sadd.s32 s23, s5  }
0x16: {  	[timem:s24], [sflag:s8] =	dma.local [hbm:s7], s6  }
0x17: {  	_ =	swait.ge [sflag:s8], s6  }
0x18: {  	s6 =	ssub.s32 $0x0, s6;
	[sflag:s8] =	ssyncset.done $0x0  }
0x19: {  	[sflag:s8] =	ssyncadd.s32 s6;
	_ =	sdelay $0x1  }
0x1a: {  	s25 =	simm.s32 $0x1B8B  }
0x1b: {  	_ =	swait.ge [sflag:s25], $0x1  }
0x1c: {  	[sflag:s25] =	ssyncset.done $0x0  }
0x1d: {  	[sflag:s25] =	ssyncadd.s32 $0xFFFFFFFF  }
0x1e: {  	s6 =	sld [smem:$0x0]  }
0x1f: {  	s7 =	sand.u32 $0xFFFFFFFE, s1  }
0x20: {  	p0 =	sne.s32 s1, s7  }
0x21: {  	s7 =	sshll.u32 @p0 s7, $0xE  }
0x22: {  	s7 =	sadd.s32 @p0 $0x11B8D, s7;
	s8 =	sshll.u32 @p0 s6, $0x11  }
0x23: {  	s7 =	sor.u32 @p0 s8, s7  }
0x24: {  	[sflag:s7] =	ssyncadd.remote.s32 @p0 $0x1;
	_ =	sdelay $0x1  }
0x25: {  	s7 =	simm.s32 @p0 $0x1B8D  }
0x26: {  	_ =	swait.eq @p0 [sflag:s7], $0x1  }
0x27: {  	[sflag:s7] =	ssyncadd.s32 @p0 $0xFFFFFFFF  }
0x28: {  	s8 =	sshll.u32 @!p0 s1, $0xE  }
0x29: {  	s8 =	sor.u32 @!p0 $0x4000, s8;
	s7 =	simm.s32 @!p0 $0x1B8D  }
0x2a: {  	s6 =	sshll.u32 @!p0 s6, $0x11;
	s8 =	sadd.s32 @!p0 $0x11B8D, s8;
	_ =	swait.eq @!p0 [sflag:s7], $0x1  }
0x2b: {  	s6 =	sor.u32 @!p0 s6, s8;
	[sflag:s7] =	ssyncadd.s32 @!p0 $0xFFFFFFFF  }
0x2c: {  	s26 =	simm.s32 $0x1B8E;
	[sflag:s6] =	ssyncadd.remote.s32 @!p0 $0x1  }
0x2d: {  	s27 =	simm.s32 $execute0_lowered;
	[smem:$0x3FD2] =	sst s26  }
0x2e: {  	s6 =	sshll.u32 s27, $0x1;
	_ =	strace $0x80000049;
	[dreg:$0x1] =	wrdreg $0xFFFFFFFF  }
0x2f: {  	s28 =	simm.s32 $_size_execute0_lowered;
	s5 =	sadd.s32 s5, s6;
	[dreg:$0x0] =	wrdreg $0x0  }
0x30: {  	s6 =	sshll.u32 s28, $0x1;
	[dreg:$0x2] =	wrdreg s5  }
0x31: {  	[dreg:$0x3] =	wrdreg s6  }
0x32: {  	[dreg:$0x4] =	wrdreg $0xC0  }
0x33: {  	_ =	task [dreg:s24], $0x5FFFF  }
0x34: {  	[dreg:$0x1] =	wrdreg $0xFFFFFFFF  }
0x35: {  	[dreg:$0x0] =	wrdreg $0x60  }
0x36: {  	[dreg:$0x2] =	wrdreg s20  }
0x37: {  	[dreg:$0x3] =	wrdreg s4  }
0x38: {  	[dreg:$0x4] =	wrdreg $0xA  }
0x39: {  	_ =	task.clear_ibuf [dreg:s24], $0x5FFFF;
	_ =	strace $0x90000049  }
0x3a: {  	s29 =	simm.s32 $0xA;
	_ =	strace $0x8000004B  }
0x3b: {  	_ =	swait.ge [sflag:s29], $0x1  }
0x3c: {  	[sflag:s29] =	ssyncadd.s32 $0xFFFFFFFF  }
0x3d: {  	_ =	strace $0x9000004B  }
0x3e: {  	_ =	sfence  }
0x3f: {  	s30 =	sld [smem:$0x0];
	_ =	sdelay $0x2  }
0x40: {  	s31 =	sshll.u32 s1, $0xD;
	s1 =	sshrl.u32 s1, $0x2  }
0x41: {  	s4 =	sand.u32 $0x4000, s31;
	s1 =	sadd.s32 s1, s30  }
0x42: {  	s0 =	sor.u32 s4, s0;
	s1 =	sshll.u32 s1, $0x11  }
0x43: {  	s0 =	sor.u32 s1, s0  }
0x44: {  	s0 =	sadd.s32 $0x8F2B, s0  }
0x45: {  	[sflag:s0] =	ssyncadd.remote.s32 $0x1  }
0x46: {  	_ =	sfence.sel $0xFFFF  }
0x47: {  	[dreg:$0x0] =	wrdreg $0xFFFFFFFF;
	(pc) =	sbr.abs _section_cstart, $3  }
0x48: {  	[dreg:$0x1] =	wrdreg $0xFFFFFFFF  }
0x49: {  	_ =	task.clear_ibuf [dreg:s24], $0x2FFFF;
	_ =	strace $0x9FFFFFFF  }
0x4a: {  	(tm) =	ssettm $0x7FFFFFFF  }
0x4b: {  	_ =	shalt  }
tec
execute0_lowered:
.L_overlay_start_1:
0x0: {  	(tag) =	ssettag $0x1  }
0x1: {  	s0 =	srdreg.scid  }
0x2: {  	s1 =	sshll.u32 s0, $0x4  }
0x3: {  	s2 =	rddreg [dreg:$0x0];
	s0 =	stileid.u32;
	s1 =	sand.u32 $0x10, s1  }
0x4: {  	s4 =	rddreg [dreg:$0x1];
	s1 =	sor.u32 s0, s1  }
0x5: {  	s7 =	simm.s32 $0x1;
	s8 =	simm.s32 $0x2;
	s3 =	sshll.u32 s1, $0x1  }
0x6: {  	s9 =	simm.s32 $0x0;
	s12 =	simm.s32 $0x0;
	s6 =	ssub.s32 $0x1000, s3  }
.Ltmp0:
0x7: {  	s11 =	simm.s32 $0x0;
	s5 =	sand.u32 $0x3E, s6;
	(pc) =	sbr.rel .LBB1_1-.Ltmp0, $4  }
0x8: {  	s1 =	rddreg [dreg:$0x2];
	_ =	strace $0x8000004A;
	p0 =	sne.s32 s5, $0x0  }
0x9: {  	s6 =	sshrl.u32 s6, $0x6;
	s5 =	simm.s32 $0x1;
	s7 =	simm.s32 @!p0 $0x0  }
0xa: {  	s10 =	smov.u32 s3;
	[sflag:s5] =	ssyncpa.u1 $0x0;
	s6 =	sadd.s32 s7, s6  }
0xb: {  	[sflag:s8] =	ssyncpa.u1 $0x0;
	s8 =	simm.s32 $0x0;
	s7 =	sadd.s32 $0x1, s6  }
.LBB1_9:
0xc: {  	s14 =	sadd.s32 $0x40, s10  }
0xd: {  	p1 =	sgt.s32 s14, $0xFFF  }
0xe: {  	s14 =	smov.u32 @p1 s3;
	p1 =	sne.s32 s11, s7  }
.Ltmp1:
0xf: {  	p0 =	slt.u32 s11, $0x2;
	(pc) =	sbr.rel @!p1 .LBB1_10-.Ltmp1, $4  }
0x10: {  	s13 =	simm.s32 @!p0 $0x2  }
0x11: {  	s15 =	sadd.s32 $0x1, s11;
	_ =	swait.ge @!p0 [sflag:s13], $0x4000  }
0x12: {  	s12 =	smov.u32 s10;
	s9 =	sadd.s32 $0x4000, s9;
	[sflag:s13] =	ssyncset.done @!p0 $0x0  }
0x13: {  	s11 =	smov.u32 s15;
	s10 =	smov.u32 s14;
	[sflag:s13] =	ssyncadd.s32 @!p0 $0xFFFFC000  }
.LBB1_1:
0x14: {  	p0 =	sge.u32 s11, s6  }
0x15: {  	s13 =	sxor.u32 @!p0 $0xFFFFFFFF, s11  }
0x16: {  	s31 =	sadd.s32 $0xFFFFFFFF, s11;
	s14 =	sshll.u32 @!p0 s10, $0xA;
	s13 =	sshll.u32 @!p0 s13, $0xE  }
0x17: {  	s15 =	simm.s32 @!p0 $0x0;
	s14 =	sadd.s32 @!p0 s2, s14;
	s13 =	sand.u32 @!p0 $0x4000, s13  }
0x18: {  	[tilespmem:s13], [sflag:$0x1] =	stream.linear.gather @!p0 [hbm4b:s14+s15], $0x4000, $0x38;
	[tilespmem:$0x10000] =	vst v63  }
0x19: {  	p0 =	sge.u32 s31, s6  }
.Ltmp2:
0x1a: {  	_ = 	snop;
	(pc) =	sbr.rel @p0 .LBB1_9-.Ltmp2, $1  }
0x1b: {  	_ =	sdelay $0x3  }
0x1c: {  	s13 =	sshll.u32 s9, $0x2  }
0x1d: {  	_ =	swait.ge [sflag:s5], $0x4000;
	s14 =	sshll.u32 s11, $0xE;
	s16 =	simm.s32 $0x0  }
0x1e: {  	p1 =	por $0x1, $0x1;
	s13 =	sand.u32 $0x10000, s13;
	[sflag:s5] =	ssyncset.done $0x0  }
0x1f: {  	s14 =	sand.u32 $0x4000, s14;
	s15 =	sshrl.u32 s13, $0x2;
	[sflag:s5] =	ssyncadd.s32 $0xFFFFC000  }
0x20: {  	s13 =	sor.u32 $0x8000, s14;
	s14 =	sadd.s32 $0x8040, s15;
	s15 =	sadd.s32 $0x40, s15  }
.LBB1_3:
0x21: {  	s16 =	sshll.u32 s16, $0x2  }
0x22: {  	p0 =	por p1, p1;
	s17 =	sshra.s32 s16, $0x2  }
0x23: {  	s18 =	simm.s32 $0x0;
	s16 =	sadd.s32 s17, s14;
	s17 =	sadd.s32 s17, s15  }
.LBB1_4:
0x24: {  	v0 =	vmov s17;
	_ =	sdelay $0x3  }
0x25: {  	s20 =	simm.s32 $0x0  }
0x26: {  	v6 =	vld.idx.msk [tilespmem:v0+s20+$0x30 ss:$0x1], $0xffff  }
0x27: {  	v7 =	vld.idx.msk [tilespmem:v0+s20+$0xFFFFFFC0 ss:$0x1], $0xffff  }
0x28: {  	v5 =	vld.idx.msk [tilespmem:v0+s20+$0xFFFFFFD0 ss:$0x1], $0xffff  }
0x29: {  	v4 =	vld.idx.msk [tilespmem:v0+s20+$0xFFFFFFE0 ss:$0x1], $0xffff  }
0x2a: {  	v3 =	vld.idx.msk [tilespmem:v0+s20+$0xFFFFFFF0 ss:$0x1], $0xffff  }
0x2b: {  	v1 =	vld.idx.msk [tilespmem:v0+s20+$0x0 ss:$0x1], $0xffff  }
0x2c: {  	v2 =	vld.idx.msk [tilespmem:v0+s20+$0x10 ss:$0x1], $0xffff;
	[tilespmem:s16+$0x30] =	vst v6  }
0x2d: {  	s19 =	simm.s32 $0x80;
	s21 =	simm.s32 $0x400;
	[tilespmem:s16+$0xFFFFFFC0] =	vst v7;
	v6 =	vld.idx.msk [tilespmem:v0+s20+$0x20 ss:$0x1], $0xffff;
	s20 =	smov.u32 s16  }
.LBB1_5:
0x2e: {  	p1 =	sne.s32 s21, $0xE00;
	v7 =	vld.idx.msk [tilespmem:v0+s19+$0x30 ss:$0x1], $0xffff;
	[tilespmem:s20+$0xFFFFFFD0] =	vst v5  }
0x2f: {  	v8 =	vld.idx.msk [tilespmem:v0+s19+$0xFFFFFFC0 ss:$0x1], $0xffff;
	[tilespmem:s20+$0xFFFFFFE0] =	vst v4  }
0x30: {  	v5 =	vld.idx.msk [tilespmem:v0+s19+$0xFFFFFFD0 ss:$0x1], $0xffff;
	[tilespmem:s20+$0xFFFFFFF0] =	vst v3  }
.Ltmp3:
0x31: {  	v4 =	vld.idx.msk [tilespmem:v0+s19+$0xFFFFFFE0 ss:$0x1], $0xffff;
	[tilespmem:s20+$0x0] =	vst v1;
	(pc) =	sbr.rel @p1 .LBB1_5-.Ltmp3, $4  }
0x32: {  	v3 =	vld.idx.msk [tilespmem:v0+s19+$0xFFFFFFF0 ss:$0x1], $0xffff;
	[tilespmem:s20+$0x10] =	vst v2  }
0x33: {  	v1 =	vld.idx.msk [tilespmem:v0+s19+$0x0 ss:$0x1], $0xffff;
	[tilespmem:s20+$0x20] =	vst v6;
	s20 =	sadd.s32 $0x400, s20  }
0x34: {  	v2 =	vld.idx.msk [tilespmem:v0+s19+$0x10 ss:$0x1], $0xffff;
	[tilespmem:s20+$0x30] =	vst v7  }
0x35: {  	[tilespmem:s20+$0xFFFFFFC0] =	vst v8;
	v6 =	vld.idx.msk [tilespmem:v0+s19+$0x20 ss:$0x1], $0xffff;
	s19 =	sshra.s32 s21, $0x2;
	s21 =	sadd.s32 $0x200, s21  }
0x36: {  	_ =	sdelay $0x2  }
0x37: {  	[tilespmem:s20+$0xFFFFFFD0] =	vst v5  }
0x38: {  	v56 =	vld.idx.msk [tilespmem:v0+s19+$0x30 ss:$0x1], $0xffff;
	[tilespmem:s20+$0xFFFFFFE0] =	vst v4  }
0x39: {  	v57 =	vld.idx.msk [tilespmem:v0+s19+$0xFFFFFFC0 ss:$0x1], $0xffff;
	[tilespmem:s20+$0xFFFFFFF0] =	vst v3  }
0x3a: {  	v58 =	vld.idx.msk [tilespmem:v0+s19+$0xFFFFFFD0 ss:$0x1], $0xffff;
	[tilespmem:s20+$0x0] =	vst v1  }
0x3b: {  	v59 =	vld.idx.msk [tilespmem:v0+s19+$0xFFFFFFE0 ss:$0x1], $0xffff;
	[tilespmem:s20+$0x10] =	vst v2  }
0x3c: {  	v60 =	vld.idx.msk [tilespmem:v0+s19+$0xFFFFFFF0 ss:$0x1], $0xffff;
	s31 =	sadd.s32 $0x400, s20;
	[tilespmem:s20+$0x20] =	vst v6  }
0x3d: {  	v61 =	vld.idx.msk [tilespmem:v0+s19+$0x0 ss:$0x1], $0xffff;
	[tilespmem:s31+$0x30] =	vst v56  }
0x3e: {  	v62 =	vld.idx.msk [tilespmem:v0+s19+$0x10 ss:$0x1], $0xffff;
	s18 =	sadd.s32 $0x1, s18;
	[tilespmem:s31+$0xFFFFFFC0] =	vst v57  }
0x3f: {  	v63 =	vld.idx.msk [tilespmem:v0+s19+$0x20 ss:$0x1], $0xffff;
	p1 =	sne.s32 s18, $0x8;
	[tilespmem:s31+$0xFFFFFFD0] =	vst v58  }
.Ltmp4:
0x40: {  	[tilespmem:s31+$0xFFFFFFE0] =	vst v59;
	(pc) =	sbr.rel @p1 .LBB1_4-.Ltmp4, $4  }
0x41: {  	[tilespmem:s31+$0xFFFFFFF0] =	vst v60  }
0x42: {  	[tilespmem:s31+$0x0] =	vst v61  }
0x43: {  	[tilespmem:s31+$0x10] =	vst v62  }
0x44: {  	s16 =	sadd.s32 $0x80, s16;
	s17 =	sadd.s32 $0x400, s17;
	[tilespmem:s31+$0x20] =	vst v63  }
.Ltmp5:
0x45: {  	(pc) =	sbr.rel @p0 .LBB1_3-.Ltmp5, $2  }
0x46: {  	_ =	sdelay $0x2  }
0x47: {  	s16 =	simm.s32 $0x2000;
	p1 =	por $0x0, $0x0  }
.Ltmp6:
0x48: {  	(pc) =	sbr.rel .LBB1_9-.Ltmp6, $4  }
0x49: {  	_ = 	snop  }
0x4a: {  	s12 =	sshll.u32 s12, $0xA  }
0x4b: {  	s12 =	sadd.s32 s4, s12  }
0x4c: {  	[hbm4b:s12+s8] =	stream.linear.scatter [tilespmem:s13], [sflag:$0x2], $0x4000, $0x38;
	[tilespmem:$0x10000] =	vst v63  }
.LBB1_10:
0x4d: {  	_ =	sfence.sel $0x180000  }
0x4e: {  	s2 =	simm.s32 $0x1;
	[bflag:$0x0] =	sbarrier.arrive $0xFFFF  }
0x4f: {  	s31 =	simm.s32 $0x2;
	[sflag:s2] =	ssyncpa.u1 $0x1  }
0x50: {  	[sflag:s31] =	ssyncpa.u1 $0x1  }
0x51: {  	p0 =	sne.s32 s0, $0x0;
	_ =	strace $0x9000004A  }
0x52: {  	s0 =	sadd.s32 @!p0 $0x100000, s1;
	[bflag:$0x2] =	sbarrier.arrive $0xFFFF  }
0x53: {  	[sflag:s0] =	ssyncadd.tile.s32 @!p0 $0x1;
	_ =	shalt  }
.Lfunc_end1:
_tile_overlayer_lowered:
.L_overlay_start_2:
0x54: {  	(tag) =	ssettag $0x2  }
0x55: {  	s0 =	rddreg [dreg:$0x0];
	s2 =	stileid.u32  }
0x56: {  	s1 =	rddreg [dreg:$0x1];
	p0 =	sne.s32 s2, $0x0  }
0x57: {  	s3 =	rddreg [dreg:$0x2];
	[bflag:$0x3] =	sbarrier.arrive $0xFFFF;
	s2 =	simm.s32 @!p0 $0x1C01  }
0x58: {  	[timem:s3], [sflag:s2] =	dma.local @!p0 [hbm:s0], s1  }
0x59: {  	s0 =	simm.s32 @!p0 $0x1  }
0x5a: {  	_ =	swait.ge @!p0 [sflag:s0], s1  }
0x5b: {  	s1 =	ssub.s32 @!p0 $0x0, s1;
	[sflag:s0] =	ssyncset.done @!p0 $0x0  }
0x5c: {  	[sflag:s0] =	ssyncadd.s32 @!p0 s1  }
0x5d: {  	[bflag:$0x3] =	sbarrier.arrive $0xFFFF  }
0x5e: {  	_ =	shalt  }

// kernel: sparse-core-data-format-call.cloned.1.call-start
scs
called_computation_lowered:
.L_overlay_start_0:
0x0: {  	s2 =	sld [smem:$0x3FD9]  }
0x1: {  	s3 =	sld [smem:$0x3FFE];
	_ =	sdelay $0x1  }
0x2: {  	s1 =	srdreg.scid  }
0x3: {  	s0 =	sand.u32 $0x1, s1  }
0x4: {  	s18 =	sshll.u32 s0, $0xA;
	s2 =	sadd.s32 s3, s2  }
0x5: {  	s2 =	sadd.s32 s2, s18  }
0x6: {  	[smem:$0x3FC6] =	sst s2  }
0x7: {  	_ = 	snop  }
0x8: {  	s2 =	sld [smem:$0x3FC8];
	(tm) =	ssettm $0x1  }
0x9: {  	s19 =	sld [smem:$0x3FFB];
	_ =	sdelay $0x3  }
0xa: {  	_ =	strace s19  }
0xb: {  	s3 =	sld [smem:$0x3FFC];
	_ =	sdelay $0x3  }
0xc: {  	_ =	strace s3  }
0xd: {  	s3 =	sld [smem:$0x3FFD];
	_ =	sdelay $0x3  }
0xe: {  	_ =	strace s3  }
0xf: {  	_ =	strace $0x8FFFFFFF  }
0x10: {  	s20 =	sld [smem:$0x3FDB];
	_ =	sdelay $0x1  }
0x11: {  	s4 =	simm.s32 $_scs_section_size  }
0x12: {  	s5 =	simm.s32 $_size__tile_overlayer_lowered;
	s6 =	simm.s32 $_tile_overlayer_lowered  }
0x13: {  	s23 =	simm.s32 $0x1BFF;
	s22 =	sshll.u32 s6, $0x1;
	s3 =	sadd.s32 s4, s20  }
0x14: {  	s7 =	simm.s32 $0x0;
	s21 =	sshll.u32 s5, $0x1;
	s5 =	sadd.s32 s22, s3  }
0x15: {  	[timem:s7], [sflag:s23] =	dma.local [hbm:s5], s21  }
0x16: {  	_ =	swait.ge [sflag:s23], s21  }
0x17: {  	s4 =	ssub.s32 $0x0, s21;
	[sflag:s23] =	ssyncset.done $0x0  }
0x18: {  	[sflag:s23] =	ssyncadd.s32 s4;
	_ =	sdelay $0x1  }
0x19: {  	s24 =	simm.s32 $0x1B8B  }
0x1a: {  	_ =	swait.ge [sflag:s24], $0x1  }
0x1b: {  	[sflag:s24] =	ssyncset.done $0x0  }
0x1c: {  	s26 =	simm.s32 $0x1B8E;
	s25 =	sld [smem:$0x3FFE];
	[sflag:s24] =	ssyncadd.s32 $0xFFFFFFFF  }
0x1d: {  	s27 =	simm.s32 $execute0_lowered;
	[smem:$0x3FD2] =	sst s26  }
0x1e: {  	s5 =	sshll.u32 s27, $0x1;
	_ =	strace $0x80000046;
	[dreg:$0x1] =	wrdreg $0xFFFFFFFF  }
0x1f: {  	s28 =	simm.s32 $_size_execute0_lowered;
	s3 =	sadd.s32 s3, s5;
	[dreg:$0x0] =	wrdreg $0x0  }
0x20: {  	s5 =	sshll.u32 s28, $0x1;
	[dreg:$0x2] =	wrdreg s3  }
0x21: {  	[dreg:$0x3] =	wrdreg s5  }
0x22: {  	[dreg:$0x4] =	wrdreg $0xC0  }
0x23: {  	_ =	task [dreg:s7], $0x5FFFF  }
0x24: {  	[dreg:$0x1] =	wrdreg $0xFFFFFFFF  }
0x25: {  	[dreg:$0x0] =	wrdreg $0x60  }
0x26: {  	[dreg:$0x2] =	wrdreg s2  }
0x27: {  	[dreg:$0x3] =	wrdreg s25  }
0x28: {  	[dreg:$0x4] =	wrdreg $0x9  }
0x29: {  	_ =	task.clear_ibuf [dreg:s7], $0x5FFFF;
	_ =	strace $0x90000046  }
0x2a: {  	s29 =	simm.s32 $0x9;
	_ =	strace $0x80000048  }
0x2b: {  	_ =	swait.ge [sflag:s29], $0x1  }
0x2c: {  	[sflag:s29] =	ssyncadd.s32 $0xFFFFFFFF  }
0x2d: {  	_ =	strace $0x90000048  }
0x2e: {  	_ =	sfence  }
0x2f: {  	s30 =	sld [smem:$0x0];
	_ =	sdelay $0x2  }
0x30: {  	s31 =	sshll.u32 s1, $0xD;
	s1 =	sshrl.u32 s1, $0x2  }
0x31: {  	s3 =	sand.u32 $0x4000, s31;
	s1 =	sadd.s32 s1, s30  }
0x32: {  	s0 =	sor.u32 s3, s0;
	s1 =	sshll.u32 s1, $0x11  }
0x33: {  	s0 =	sor.u32 s1, s0  }
0x34: {  	s0 =	sadd.s32 $0x8F2B, s0  }
0x35: {  	[sflag:s0] =	ssyncadd.remote.s32 $0x1  }
0x36: {  	_ =	sfence.sel $0xFFFF  }
0x37: {  	[dreg:$0x0] =	wrdreg $0xFFFFFFFF;
	(pc) =	sbr.abs _section_cstart, $3  }
0x38: {  	[dreg:$0x1] =	wrdreg $0xFFFFFFFF  }
0x39: {  	_ =	task.clear_ibuf [dreg:s7], $0x2FFFF;
	_ =	strace $0x9FFFFFFF  }
0x3a: {  	(tm) =	ssettm $0x7FFFFFFF  }
0x3b: {  	_ =	shalt  }
tec
execute0_lowered:
.L_overlay_start_1:
0x0: {  	(tag) =	ssettag $0x1  }
0x1: {  	s0 =	srdreg.scid  }
0x2: {  	s1 =	sshll.u32 s0, $0x4  }
0x3: {  	s2 =	rddreg [dreg:$0x0];
	s0 =	stileid.u32;
	s1 =	sand.u32 $0x10, s1  }
0x4: {  	s4 =	rddreg [dreg:$0x1];
	s7 =	simm.s32 $0x1;
	s1 =	sor.u32 s0, s1  }
0x5: {  	s8 =	simm.s32 $0x2;
	s9 =	simm.s32 $0x0;
	s3 =	sshll.u32 s1, $0x1  }
0x6: {  	s12 =	simm.s32 $0x0;
	s11 =	simm.s32 $0x0;
	s6 =	ssub.s32 $0x400, s3  }
.Ltmp0:
0x7: {  	s4 =	sadd.s32 $0xC00, s4;
	s5 =	sand.u32 $0x3E, s6;
	(pc) =	sbr.rel .LBB1_1-.Ltmp0, $4  }
0x8: {  	s1 =	rddreg [dreg:$0x2];
	_ =	strace $0x80000047;
	p0 =	sne.s32 s5, $0x0  }
0x9: {  	s6 =	sshrl.u32 s6, $0x6;
	s5 =	simm.s32 $0x1;
	s7 =	simm.s32 @!p0 $0x0  }
0xa: {  	s10 =	smov.u32 s3;
	[sflag:s5] =	ssyncpa.u1 $0x0;
	s6 =	sadd.s32 s7, s6  }
0xb: {  	[sflag:s8] =	ssyncpa.u1 $0x0;
	s8 =	simm.s32 $0x0;
	s7 =	sadd.s32 $0x1, s6  }
.LBB1_9:
0xc: {  	s14 =	sadd.s32 $0x40, s10  }
0xd: {  	p1 =	sgt.s32 s14, $0x3FF  }
0xe: {  	s14 =	smov.u32 @p1 s3;
	p1 =	sne.s32 s11, s7  }
.Ltmp1:
0xf: {  	p0 =	slt.u32 s11, $0x2;
	(pc) =	sbr.rel @!p1 .LBB1_10-.Ltmp1, $4  }
0x10: {  	s13 =	simm.s32 @!p0 $0x2  }
0x11: {  	s15 =	sadd.s32 $0x1, s11;
	_ =	swait.ge @!p0 [sflag:s13], $0x4000  }
0x12: {  	s12 =	smov.u32 s10;
	s9 =	sadd.s32 $0x4000, s9;
	[sflag:s13] =	ssyncset.done @!p0 $0x0  }
0x13: {  	s11 =	smov.u32 s15;
	s10 =	smov.u32 s14;
	[sflag:s13] =	ssyncadd.s32 @!p0 $0xFFFFC000  }
.LBB1_1:
0x14: {  	p0 =	sge.u32 s11, s6  }
0x15: {  	s13 =	sxor.u32 @!p0 $0xFFFFFFFF, s11  }
0x16: {  	s31 =	sadd.s32 $0xFFFFFFFF, s11;
	s14 =	sshll.u32 @!p0 s10, $0xA;
	s13 =	sshll.u32 @!p0 s13, $0xE  }
0x17: {  	s15 =	simm.s32 @!p0 $0x0;
	s14 =	sadd.s32 @!p0 s2, s14;
	s13 =	sand.u32 @!p0 $0x4000, s13  }
0x18: {  	[tilespmem:s13], [sflag:$0x1] =	stream.linear.gather @!p0 [hbm4b:s14+s15], $0x4000, $0x38;
	[tilespmem:$0x10000] =	vst v63  }
0x19: {  	p0 =	sge.u32 s31, s6  }
.Ltmp2:
0x1a: {  	_ = 	snop;
	(pc) =	sbr.rel @p0 .LBB1_9-.Ltmp2, $1  }
0x1b: {  	_ =	sdelay $0x3  }
0x1c: {  	s13 =	sshll.u32 s9, $0x2  }
0x1d: {  	_ =	swait.ge [sflag:s5], $0x4000;
	s14 =	sshll.u32 s11, $0xE;
	s16 =	simm.s32 $0x0  }
0x1e: {  	p1 =	por $0x1, $0x1;
	s13 =	sand.u32 $0x10000, s13;
	[sflag:s5] =	ssyncset.done $0x0  }
0x1f: {  	s14 =	sand.u32 $0x4000, s14;
	s15 =	sshrl.u32 s13, $0x2;
	[sflag:s5] =	ssyncadd.s32 $0xFFFFC000  }
0x20: {  	s13 =	sor.u32 $0x8000, s14;
	s14 =	sadd.s32 $0x8040, s15;
	s15 =	sadd.s32 $0x40, s15  }
.LBB1_3:
0x21: {  	s16 =	sshll.u32 s16, $0x2  }
0x22: {  	p0 =	por p1, p1;
	s17 =	sshra.s32 s16, $0x2  }
0x23: {  	s18 =	simm.s32 $0x0;
	s16 =	sadd.s32 s17, s14;
	s17 =	sadd.s32 s17, s15  }
.LBB1_4:
0x24: {  	v0 =	vmov s17;
	_ =	sdelay $0x3  }
0x25: {  	s20 =	simm.s32 $0x0  }
0x26: {  	v6 =	vld.idx.msk [tilespmem:v0+s20+$0x30 ss:$0x1], $0xffff  }
0x27: {  	v7 =	vld.idx.msk [tilespmem:v0+s20+$0xFFFFFFC0 ss:$0x1], $0xffff  }
0x28: {  	v5 =	vld.idx.msk [tilespmem:v0+s20+$0xFFFFFFD0 ss:$0x1], $0xffff  }
0x29: {  	v4 =	vld.idx.msk [tilespmem:v0+s20+$0xFFFFFFE0 ss:$0x1], $0xffff  }
0x2a: {  	v3 =	vld.idx.msk [tilespmem:v0+s20+$0xFFFFFFF0 ss:$0x1], $0xffff  }
0x2b: {  	v1 =	vld.idx.msk [tilespmem:v0+s20+$0x0 ss:$0x1], $0xffff  }
0x2c: {  	v2 =	vld.idx.msk [tilespmem:v0+s20+$0x10 ss:$0x1], $0xffff;
	[tilespmem:s16+$0x30] =	vst v6  }
0x2d: {  	s19 =	simm.s32 $0x80;
	s21 =	simm.s32 $0x400;
	[tilespmem:s16+$0xFFFFFFC0] =	vst v7;
	v6 =	vld.idx.msk [tilespmem:v0+s20+$0x20 ss:$0x1], $0xffff;
	s20 =	smov.u32 s16  }
.LBB1_5:
0x2e: {  	p1 =	sne.s32 s21, $0xE00;
	v7 =	vld.idx.msk [tilespmem:v0+s19+$0x30 ss:$0x1], $0xffff;
	[tilespmem:s20+$0xFFFFFFD0] =	vst v5  }
0x2f: {  	v8 =	vld.idx.msk [tilespmem:v0+s19+$0xFFFFFFC0 ss:$0x1], $0xffff;
	[tilespmem:s20+$0xFFFFFFE0] =	vst v4  }
0x30: {  	v5 =	vld.idx.msk [tilespmem:v0+s19+$0xFFFFFFD0 ss:$0x1], $0xffff;
	[tilespmem:s20+$0xFFFFFFF0] =	vst v3  }
.Ltmp3:
0x31: {  	v4 =	vld.idx.msk [tilespmem:v0+s19+$0xFFFFFFE0 ss:$0x1], $0xffff;
	[tilespmem:s20+$0x0] =	vst v1;
	(pc) =	sbr.rel @p1 .LBB1_5-.Ltmp3, $4  }
0x32: {  	v3 =	vld.idx.msk [tilespmem:v0+s19+$0xFFFFFFF0 ss:$0x1], $0xffff;
	[tilespmem:s20+$0x10] =	vst v2  }
0x33: {  	v1 =	vld.idx.msk [tilespmem:v0+s19+$0x0 ss:$0x1], $0xffff;
	[tilespmem:s20+$0x20] =	vst v6;
	s20 =	sadd.s32 $0x400, s20  }
0x34: {  	v2 =	vld.idx.msk [tilespmem:v0+s19+$0x10 ss:$0x1], $0xffff;
	[tilespmem:s20+$0x30] =	vst v7  }
0x35: {  	[tilespmem:s20+$0xFFFFFFC0] =	vst v8;
	v6 =	vld.idx.msk [tilespmem:v0+s19+$0x20 ss:$0x1], $0xffff;
	s19 =	sshra.s32 s21, $0x2;
	s21 =	sadd.s32 $0x200, s21  }
0x36: {  	_ =	sdelay $0x2  }
0x37: {  	[tilespmem:s20+$0xFFFFFFD0] =	vst v5  }
0x38: {  	v56 =	vld.idx.msk [tilespmem:v0+s19+$0x30 ss:$0x1], $0xffff;
	[tilespmem:s20+$0xFFFFFFE0] =	vst v4  }
0x39: {  	v57 =	vld.idx.msk [tilespmem:v0+s19+$0xFFFFFFC0 ss:$0x1], $0xffff;
	[tilespmem:s20+$0xFFFFFFF0] =	vst v3  }
0x3a: {  	v58 =	vld.idx.msk [tilespmem:v0+s19+$0xFFFFFFD0 ss:$0x1], $0xffff;
	[tilespmem:s20+$0x0] =	vst v1  }
0x3b: {  	v59 =	vld.idx.msk [tilespmem:v0+s19+$0xFFFFFFE0 ss:$0x1], $0xffff;
	[tilespmem:s20+$0x10] =	vst v2  }
0x3c: {  	v60 =	vld.idx.msk [tilespmem:v0+s19+$0xFFFFFFF0 ss:$0x1], $0xffff;
	s31 =	sadd.s32 $0x400, s20;
	[tilespmem:s20+$0x20] =	vst v6  }
0x3d: {  	v61 =	vld.idx.msk [tilespmem:v0+s19+$0x0 ss:$0x1], $0xffff;
	[tilespmem:s31+$0x30] =	vst v56  }
0x3e: {  	v62 =	vld.idx.msk [tilespmem:v0+s19+$0x10 ss:$0x1], $0xffff;
	s18 =	sadd.s32 $0x1, s18;
	[tilespmem:s31+$0xFFFFFFC0] =	vst v57  }
0x3f: {  	v63 =	vld.idx.msk [tilespmem:v0+s19+$0x20 ss:$0x1], $0xffff;
	p1 =	sne.s32 s18, $0x8;
	[tilespmem:s31+$0xFFFFFFD0] =	vst v58  }
.Ltmp4:
0x40: {  	[tilespmem:s31+$0xFFFFFFE0] =	vst v59;
	(pc) =	sbr.rel @p1 .LBB1_4-.Ltmp4, $4  }
0x41: {  	[tilespmem:s31+$0xFFFFFFF0] =	vst v60  }
0x42: {  	[tilespmem:s31+$0x0] =	vst v61  }
0x43: {  	[tilespmem:s31+$0x10] =	vst v62  }
0x44: {  	s16 =	sadd.s32 $0x80, s16;
	s17 =	sadd.s32 $0x400, s17;
	[tilespmem:s31+$0x20] =	vst v63  }
.Ltmp5:
0x45: {  	(pc) =	sbr.rel @p0 .LBB1_3-.Ltmp5, $2  }
0x46: {  	_ =	sdelay $0x2  }
0x47: {  	s16 =	simm.s32 $0x2000;
	p1 =	por $0x0, $0x0  }
.Ltmp6:
0x48: {  	(pc) =	sbr.rel .LBB1_9-.Ltmp6, $4  }
0x49: {  	_ = 	snop  }
0x4a: {  	s12 =	sshll.u32 s12, $0xA  }
0x4b: {  	s12 =	sadd.s32 s4, s12  }
0x4c: {  	[hbm4b:s12+s8] =	stream.linear.scatter [tilespmem:s13], [sflag:$0x2], $0x4000, $0x38;
	[tilespmem:$0x10000] =	vst v63  }
.LBB1_10:
0x4d: {  	_ =	sfence.sel $0x180000  }
0x4e: {  	s2 =	simm.s32 $0x1;
	[bflag:$0x0] =	sbarrier.arrive $0xFFFF  }
0x4f: {  	s31 =	simm.s32 $0x2;
	[sflag:s2] =	ssyncpa.u1 $0x1  }
0x50: {  	[sflag:s31] =	ssyncpa.u1 $0x1  }
0x51: {  	p0 =	sne.s32 s0, $0x0;
	_ =	strace $0x90000047  }
0x52: {  	s0 =	sadd.s32 @!p0 $0x100000, s1;
	[bflag:$0x2] =	sbarrier.arrive $0xFFFF  }
0x53: {  	[sflag:s0] =	ssyncadd.tile.s32 @!p0 $0x1;
	_ =	shalt  }
.Lfunc_end1:
_tile_overlayer_lowered:
.L_overlay_start_2:
0x54: {  	(tag) =	ssettag $0x2  }
0x55: {  	s0 =	rddreg [dreg:$0x0];
	s2 =	stileid.u32  }
0x56: {  	s1 =	rddreg [dreg:$0x1];
	p0 =	sne.s32 s2, $0x0  }
0x57: {  	s3 =	rddreg [dreg:$0x2];
	[bflag:$0x3] =	sbarrier.arrive $0xFFFF;
	s2 =	simm.s32 @!p0 $0x1C01  }
0x58: {  	[timem:s3], [sflag:s2] =	dma.local @!p0 [hbm:s0], s1  }
0x59: {  	s0 =	simm.s32 @!p0 $0x1  }
0x5a: {  	_ =	swait.ge @!p0 [sflag:s0], s1  }
0x5b: {  	s1 =	ssub.s32 @!p0 $0x0, s1;
	[sflag:s0] =	ssyncset.done @!p0 $0x0  }
0x5c: {  	[sflag:s0] =	ssyncadd.s32 @!p0 s1  }
0x5d: {  	[bflag:$0x3] =	sbarrier.arrive $0xFFFF  }
0x5e: {  	_ =	shalt  }

</sc_bundles>
